<compile_context>
chip_gen: v7x
topology: tpu7x:2x2x1
jax: 0.10.2.dev20260603
libtpu: 0.0.44.dev20260713+nightly
codegen_flags: <defaults>
</compile_context>

<pallas_src>
import dataclasses
import functools

import jax
import jax.numpy as jnp
from jax import lax
from jax.experimental import pallas as pl
from jax.experimental.pallas import tpu as pltpu
from jax.experimental.pallas import tpu_sc as plsc

N = 10000
DEG = 32
D = 128
K = 8
SIGMA = 1.0
E = N * DEG

NW = 32
EPT = E // NW
NBINS = 10240
HALF = NBINS // 2
LANES = 16

def _sc_params():
    cp = pltpu.CompilerParams()
    if "needs_layout_passes" in pltpu.CompilerParams.__dataclass_fields__:
        cp = dataclasses.replace(cp, needs_layout_passes=False)
    return cp


def _mesh():
    return plsc.VectorSubcoreMesh(
        core_axis_name="c", subcore_axis_name="s",
        num_cores=2, num_subcores=16)


def _hist_body(idx_hbm, out_hbm, idx_v, h2, part, sem):
    wid = lax.axis_index("s") * 2 + lax.axis_index("c")
    pltpu.async_copy(idx_hbm.at[pl.ds(wid * EPT, EPT)], idx_v, sem).wait()
    lanes = lax.iota(jnp.int32, LANES)
    ones = jnp.full((LANES,), 1, jnp.int32)
    zeros = jnp.full((LANES,), 0, jnp.int32)
    for half in range(2):
        base = half * HALF

        @pl.loop(0, HALF, step=LANES)
        def _zero(c):
            for l in range(LANES):
                h2[l, pl.ds(c, LANES)] = zeros

        @pl.loop(0, EPT, step=LANES)
        def _scat(e):
            v = idx_v[pl.ds(e, LANES)]
            col = v - base
            m = (col >= 0) & (col < HALF)
            col = jnp.where(m, col, 0)
            plsc.addupdate_scatter(h2, [lanes, col], ones, mask=m)

        @pl.loop(0, HALF, step=LANES)
        def _reduce(c):
            acc = h2[0, pl.ds(c, LANES)]
            for l in range(1, LANES):
                acc = acc + h2[l, pl.ds(c, LANES)]
            part[pl.ds(base + c, LANES)] = acc

    pltpu.async_copy(part, out_hbm.at[wid], sem).wait()


@jax.jit
def _sc_hist(idx_flat):
    k = pl.kernel(
        _hist_body,
        out_type=jax.ShapeDtypeStruct((NW, NBINS), jnp.int32),
        mesh=_mesh(),
        scratch_types=[
            pltpu.VMEM((EPT,), jnp.int32),
            pltpu.VMEM((LANES, HALF), jnp.int32),
            pltpu.VMEM((NBINS,), jnp.int32),
            pltpu.SemaphoreType.DMA,
        ],
        compiler_params=_sc_params(),
    )
    return k(idx_flat)


def _inv_body(part_ref, inv_ref):
    deg = jnp.sum(part_ref[...], axis=0).astype(jnp.float32)
    inv_ref[...] = lax.rsqrt(jnp.maximum(deg, 1.0))


@jax.jit
def _tc_inv(partials):
    return pl.pallas_call(
        _inv_body,
        out_shape=jax.ShapeDtypeStruct((NBINS,), jnp.float32),
    )(partials)


def _tree32(v):
    r = v[..., 0:8] + v[..., 8:16]
    r = r + v[..., 16:24]
    r = r + v[..., 24:32]
    a = r[..., 0:4] + r[..., 4:8]
    b = a[..., 0:2] + a[..., 2:4]
    return b[..., 0:1] + b[..., 1:2]


def _sqsum128(v):
    vv = v * v
    w = vv + jnp.roll(vv, -1, axis=-1)
    u = w + jnp.roll(w, -2, axis=-1)
    t = u + jnp.roll(u, -4, axis=-1)
    r = t
    for j in range(1, 16):
        r = r + jnp.roll(t, -8 * j, axis=-1)
    return r[..., 0:1]


def _scale_body(x_ref, inv_ref, feat_ref, sq_ref):
    feat = x_ref[...] * inv_ref[...]
    feat_ref[...] = feat
    sq_ref[...] = _sqsum128(feat)


@jax.jit
def _tc_scale(x, inv2d):
    blk = N // 10
    return pl.pallas_call(
        _scale_body,
        grid=(10,),
        in_specs=[pl.BlockSpec((blk, D), lambda i: (i, 0)),
                  pl.BlockSpec((blk, 1), lambda i: (i, 0))],
        out_specs=(pl.BlockSpec((blk, D), lambda i: (i, 0)),
                   pl.BlockSpec((blk, 1), lambda i: (i, 0))),
        out_shape=(jax.ShapeDtypeStruct((N, D), jnp.float32),
                   jax.ShapeDtypeStruct((N, 1), jnp.float32)),
    )(x, inv2d)


_GW = 128
E_PAD = ((E + _GW * NW - 1) // (_GW * NW)) * (_GW * NW)


def _gather_body(feat_hbm, sq_hbm, idx_hbm, out_hbm, sqo_hbm):
    def body(i_vmem, o_vmem, s_vmem):
        pltpu.sync_copy(feat_hbm.at[i_vmem.at[0, 0]], o_vmem)
        pltpu.sync_copy(sq_hbm.at[i_vmem.at[0, 0]], s_vmem.at[0, 0])

    pltpu.emit_pipeline(
        body,
        grid=(E_PAD // _GW,),
        in_specs=[pl.BlockSpec((1, 1, _GW), index_map=lambda i: (i, 0, 0))],
        out_specs=[pl.BlockSpec((_GW, D), index_map=lambda i: (i, 0)),
                   pl.BlockSpec((1, 1, _GW), index_map=lambda i: (i, 0, 0))],
        core_axis_name=("c", "s"),
        dimension_semantics=(pltpu.PARALLEL,),
    )(idx_hbm, out_hbm, sqo_hbm)


@jax.jit
def _sc_gather(feat, sq1d, idx2d):
    k = pl.kernel(
        _gather_body,
        out_type=(jax.ShapeDtypeStruct((E_PAD, D), jnp.float32),
                  jax.ShapeDtypeStruct((E_PAD // _GW, 1, _GW), jnp.float32)),
        mesh=_mesh(),
    )
    return k(feat, sq1d, idx2d)


_B = 200
_Q = _B // 4
_R = _B * DEG
_STEPS = N // _B
_NQ = N // 4
_OUTSCALE = float(DEG) ** -0.5


def _tree32_roll(t):
    r = t + jnp.roll(t, -8, axis=-1)
    r = r + jnp.roll(t, -16, axis=-1)
    r = r + jnp.roll(t, -24, axis=-1)
    a = r + jnp.roll(r, -4, axis=-1)
    b = a + jnp.roll(a, -2, axis=-1)
    return b + jnp.roll(b, -1, axis=-1)


def _main_body(mail_ref, sqi_ref, sqj_ref, out_ref):
    mail = mail_ref[...]
    mq = mail.reshape(_Q, 128, D)
    mb = mq.astype(jnp.bfloat16)
    gq = jax.lax.dot_general(
        mb, mb, (((2,), (2,)), ((0,), (0,))),
        preferred_element_type=jnp.float32)
    g4 = gq.reshape(_Q, 4, 32, 128)
    lg = lax.broadcasted_iota(jnp.int32, (1, 1, 1, 128), 3) // 32
    pio = lax.broadcasted_iota(jnp.int32, (1, 4, 1, 1), 1)
    pmask = lg == pio
    gsel = jnp.sum(jnp.where(pmask, g4, 0.0), axis=1)
    sqi = sqi_ref[...]
    sqj = sqj_ref[...]
    d2 = (sqi + sqj) - 2.0 * gsel
    dists = jnp.sqrt(jnp.clip(d2, 0.0))
    lg3 = lg.reshape(1, 1, 128)
    meanrow = jnp.zeros((_Q, 1, 128), jnp.float32)
    rsall = _tree32_roll(dists)
    for p in range(4):
        rowsum = rsall[..., 32 * p:32 * p + 1]
        rowmean = rowsum * jnp.float32(1.0 / 32)
        ns = rowmean[:, 0:8] + rowmean[:, 8:16]
        ns = ns + rowmean[:, 16:24]
        ns = ns + rowmean[:, 24:32]
        a = ns[:, 0:4] + ns[:, 4:8]
        b = a[:, 0:2] + a[:, 2:4]
        nmean = (b[:, 0:1] + b[:, 1:2]) * jnp.float32(1.0 / 32)
        meanrow = meanrow + jnp.where(lg3 == p, nmean, 0.0)
    sims = jnp.exp(-dists / (jnp.float32(SIGMA) * meanrow))
    cache = jnp.zeros((_Q, 1, 128), jnp.float32)
    w4 = jnp.zeros((_Q, 4, 32, 1), jnp.float32)
    riota = lax.broadcasted_iota(jnp.int32, (1, 32, 1), 1)
    for _ in range(K):
        t = jnp.maximum(sims, cache) - cache
        gall = _tree32_roll(t)
        um = None
        ohs = []
        for p in range(4):
            gain = gall[..., 32 * p:32 * p + 1]
            gm = jnp.max(gain, axis=1, keepdims=True)
            cand = jnp.where(gain == gm, riota, DEG)
            sel = jnp.min(cand, axis=1, keepdims=True)
            oh = riota == sel
            ohs.append(oh)
            mp = oh & (lg3 == p)
            um = mp if um is None else um | mp
        selrow = jnp.max(jnp.where(um, sims, 0.0), axis=1, keepdims=True)
        cache = jnp.maximum(cache, selrow)
        w4 = w4 + jnp.stack(
            [oh.astype(jnp.float32) for oh in ohs], axis=1)
    z = mq * w4.reshape(_Q, 128, 1)
    zz = z.reshape(_Q, 4, 32, D)
    s = jnp.sum(zz, axis=2)
    out_ref[...] = s.reshape(_B, D) * jnp.float32(_OUTSCALE)


@jax.jit
def _tc_main(mail_flat, sq_i, sq_j):
    return pl.pallas_call(
        _main_body,
        grid=(_STEPS,),
        in_specs=[
            pl.BlockSpec((_R, D), lambda i: (i, 0)),
            pl.BlockSpec((_Q, DEG, D), lambda i: (i, 0, 0)),
            pl.BlockSpec((_Q, 1, D), lambda i: (i, 0, 0)),
        ],
        out_specs=pl.BlockSpec((_B, D), lambda i: (i, 0)),
        out_shape=jax.ShapeDtypeStruct((N, D), jnp.float32),
    )(mail_flat, sq_i, sq_j)


def kernel(x, category, neighbor_idx):
    del category
    idx_flat = neighbor_idx.reshape(E)
    partials = _sc_hist(idx_flat)
    inv = _tc_inv(partials)
    inv2d = inv[:N].reshape(N, 1)
    feat, sqsrc = _tc_scale(x, inv2d)
    idx_pad = jnp.concatenate(
        [idx_flat, jnp.zeros((E_PAD - E,), jnp.int32)])
    mail_flat, sqg = _sc_gather(
        feat, sqsrc.reshape(N), idx_pad.reshape(E_PAD // _GW, 1, _GW))
    sq_flat = sqg.reshape(E_PAD)[:E]
    sq_j = sq_flat.reshape(_NQ, 1, D)
    sq_t = jnp.swapaxes(sq_flat.reshape(_NQ, 4, DEG), 1, 2)
    sq_i = jnp.broadcast_to(
        sq_t[:, :, :, None], (_NQ, DEG, 4, DEG)).reshape(_NQ, DEG, D)
    return _tc_main(mail_flat[:E], sq_i, sq_j)

# --- scband reference (transcript-rebuilt; emitter-appended) ---
"""Pipeline reference for scband-sub-light-gcnlayer-47425028882705 (READ-ONLY COPY).

The authoritative reference and input builder live on the scoring server;
editing this copy changes nothing except your own understanding.
"""

import jax, jax.numpy as jnp
import numpy as np

N = 10000
DEG = 32
D = 128
K = 8
SIGMA = 1.0

def setup_inputs(seed: int = 0) -> dict:
    key = jax.random.key(seed)
    k1, k2, k3 = jax.random.split(key, 3)
    x = jax.random.normal(k1, (N, D), dtype=jnp.float32)
    category = jax.random.randint(k2, (N,), 0, 10, dtype=jnp.int64) if jax.config.jax_enable_x64 else jax.random.randint(k2, (N,), 0, 10).astype(jnp.int32)
    neighbor_idx = jax.random.randint(k3, (N, DEG), 0, N).astype(jnp.int32)
    return {"x": x, "category": category, "neighbor_idx": neighbor_idx}

def _pairwise_dist(m):
    # torch.cdist equivalent via the Gram-matrix identity (memory-efficient)
    sq = jnp.sum(m * m, axis=-1)
    d2 = sq[:, :, None] + sq[:, None, :] - 2.0 * jnp.einsum('bnd,bmd->bnm', m, m)
    return jnp.sqrt(jnp.clip(d2, 0.0))

def reference(x, category, neighbor_idx):
    n, d = x.shape
    deg = neighbor_idx.shape[1]
    # out-degree normalization on src features (LightGCN symmetric norm)
    out_deg = jnp.bincount(neighbor_idx.reshape(-1), length=n).astype(jnp.float32)
    out_deg = jnp.clip(out_deg, 1.0)
    feat_src = x * (out_deg ** -0.5)[:, None]
    # mailbox gather: every dst node has exactly DEG incoming messages
    mail = jnp.take(feat_src, neighbor_idx, axis=0)  # [n, deg, d]
    # similarity_matrix
    dists = _pairwise_dist(mail)
    mean = dists.mean(axis=-1).mean(axis=-1).reshape(-1, 1, 1)
    sims = jnp.exp(-dists / (SIGMA * mean))
    # submodular_selection_feature (greedy facility-location, K rounds)
    cache = jnp.zeros((n, 1, deg), dtype=sims.dtype)
    rows = jnp.arange(n)
    sel_list = []
    for _ in range(K):
        gain = jnp.sum(jnp.maximum(sims, cache) - cache, axis=-1)  # [n, deg]
        selected = jnp.argmax(gain, axis=1)
        cache = jnp.maximum(sims[rows, selected][:, None, :], cache)
        sel_list.append(selected)
    neighbors = jnp.stack(sel_list).T  # [n, K]
    # sub_reduction: gather selected messages and sum
    mail_sel = mail[rows[:, None], neighbors]  # [n, K, d]
    rst = jnp.sum(mail_sel, axis=1)
    # in-degree normalization on dst (fixed degree = DEG)
    in_deg = jnp.clip(jnp.full((n,), float(deg), dtype=jnp.float32), 1.0)
    rst = rst * (in_deg ** -0.5)[:, None]
    return rst

if __name__ == "__main__":
    import jax
    _d = setup_inputs()
    print(jax.jit(kernel)(*tuple(_d.values())))

</pallas_src>

<mosaic_0001>
#map = affine_map<(d0, d1) -> (0)>
#map1 = affine_map<(d0, d1) -> (0, 0)>
module attributes {stable_mosaic.version = 14 : i64} {
  func.func @_hist_body(%arg0: i32, %arg1: i32, %arg2: memref<320000xi32, #tpu.memory_space<hbm>>, %arg3: memref<32x10240xi32, #tpu.memory_space<hbm>>, %arg4: memref<10000xi32, #tpu.memory_space<vmem>>, %arg5: memref<16x5120xi32, #tpu.memory_space<vmem>>, %arg6: memref<10240xi32, #tpu.memory_space<vmem>>, %arg7: memref<!tpu.dma_semaphore, #tpu.memory_space<semaphore_mem>>) attributes {dimension_semantics = [#tpu.dimension_semantics<core_parallel>, #tpu.dimension_semantics<subcore_parallel>], iteration_bounds = array<i64: 2, 16>, scalar_prefetch = 0 : i64, scratch_operands = 4 : i64, tpu.core_type = #tpu.core_type<sc_vector_subcore>, window_params = [{transform_indices = #map}, {transform_indices = #map1}]} {
    %mul3A = arith.constant 2 : i32
    %mul3A_0 = arith.muli %arg1, %mul3A : i32
    %add3A = arith.addi %mul3A_0, %arg0 : i32
    %mul3A_1 = arith.constant 10000 : i32
    %mul3A_2 = arith.muli %add3A, %mul3A_1 : i32
    %dma_start3A = tpu.memref_slice %arg2[%mul3A_2] : memref<320000xi32, #tpu.memory_space<hbm>> -> memref<10000xi32, #tpu.memory_space<hbm>>
    %dma_start3A_3 = tpu.memref_slice %arg2[%mul3A_2] : memref<320000xi32, #tpu.memory_space<hbm>> -> memref<10000xi32, #tpu.memory_space<hbm>>
    tpu.enqueue_dma source(%dma_start3A_3 : memref<10000xi32, #tpu.memory_space<hbm>>) target(%arg4 : memref<10000xi32, #tpu.memory_space<vmem>>) target_semaphore(%arg7 : memref<!tpu.dma_semaphore, #tpu.memory_space<semaphore_mem>>)
    %dma_wait3A = tpu.memref_slice %arg2[%mul3A_2] : memref<320000xi32, #tpu.memory_space<hbm>> -> memref<10000xi32, #tpu.memory_space<hbm>>
    %dma_wait3A_4 = tpu.memref_slice %arg2[%mul3A_2] : memref<320000xi32, #tpu.memory_space<hbm>> -> memref<10000xi32, #tpu.memory_space<hbm>>
    tpu.wait_dma2 semaphore(%arg7 : memref<!tpu.dma_semaphore, #tpu.memory_space<semaphore_mem>>) src(%dma_wait3A_4 : memref<10000xi32, #tpu.memory_space<hbm>>) dst(%arg4 : memref<10000xi32, #tpu.memory_space<vmem>>)
    %iota3A = tpu.iota {dimensions = array<i32: 0>} : vector<16xi32>
    %broadcast_in_dim3A = arith.constant 1 : i32
    %broadcast_in_dim3A_5 = vector.broadcast %broadcast_in_dim3A : i32 to vector<16xi32>
    %broadcast_in_dim3A_6 = arith.constant 0 : i32
    %broadcast_in_dim3A_7 = vector.broadcast %broadcast_in_dim3A_6 : i32 to vector<16xi32>
    %scan3A = arith.constant 0 : i32
    %scan3A_8 = arith.constant 320 : i32
    %scan3A_9 = arith.addi %scan3A, %scan3A_8 : i32
    %scan3A_10 = arith.constant 1 : i32
    scf.for %scan3A_49 = %scan3A to %scan3A_9 step %scan3A_10  : i32 {
      %mul3A_50 = arith.constant 16 : i32
      %mul3A_51 = arith.muli %scan3A_49, %mul3A_50 : i32
      %add3A_52 = arith.constant 0 : i32
      %add3A_53 = arith.addi %add3A_52, %mul3A_51 : i32
      %swap3A = arith.constant 0 : i32
      %swap3A_54 = arith.index_cast %swap3A : i32 to index
      %swap3A_55 = arith.index_cast %add3A_53 : i32 to index
      %swap3A_56 = tpu.vector_load %arg5[%swap3A_54, %swap3A_55] {strides = array<i32>} : memref<16x5120xi32, #tpu.memory_space<vmem>>, vector<16xi32>,
      tpu.vector_store %arg5[%swap3A_54, %swap3A_55], %broadcast_in_dim3A_7 {strides = array<i32>} : memref<16x5120xi32, #tpu.memory_space<vmem>>, vector<16xi32>,
      %swap3A_57 = arith.constant 1 : i32
      %swap3A_58 = arith.index_cast %swap3A_57 : i32 to index
      %swap3A_59 = arith.index_cast %add3A_53 : i32 to index
      %swap3A_60 = tpu.vector_load %arg5[%swap3A_58, %swap3A_59] {strides = array<i32>} : memref<16x5120xi32, #tpu.memory_space<vmem>>, vector<16xi32>,
      tpu.vector_store %arg5[%swap3A_58, %swap3A_59], %broadcast_in_dim3A_7 {strides = array<i32>} : memref<16x5120xi32, #tpu.memory_space<vmem>>, vector<16xi32>,
      %swap3A_61 = arith.constant 2 : i32
      %swap3A_62 = arith.index_cast %swap3A_61 : i32 to index
      %swap3A_63 = arith.index_cast %add3A_53 : i32 to index
      %swap3A_64 = tpu.vector_load %arg5[%swap3A_62, %swap3A_63] {strides = array<i32>} : memref<16x5120xi32, #tpu.memory_space<vmem>>, vector<16xi32>,
      tpu.vector_store %arg5[%swap3A_62, %swap3A_63], %broadcast_in_dim3A_7 {strides = array<i32>} : memref<16x5120xi32, #tpu.memory_space<vmem>>, vector<16xi32>,
      %swap3A_65 = arith.constant 3 : i32
      %swap3A_66 = arith.index_cast %swap3A_65 : i32 to index
      %swap3A_67 = arith.index_cast %add3A_53 : i32 to index
      %swap3A_68 = tpu.vector_load %arg5[%swap3A_66, %swap3A_67] {strides = array<i32>} : memref<16x5120xi32, #tpu.memory_space<vmem>>, vector<16xi32>,
      tpu.vector_store %arg5[%swap3A_66, %swap3A_67], %broadcast_in_dim3A_7 {strides = array<i32>} : memref<16x5120xi32, #tpu.memory_space<vmem>>, vector<16xi32>,
      %swap3A_69 = arith.constant 4 : i32
      %swap3A_70 = arith.index_cast %swap3A_69 : i32 to index
      %swap3A_71 = arith.index_cast %add3A_53 : i32 to index
      %swap3A_72 = tpu.vector_load %arg5[%swap3A_70, %swap3A_71] {strides = array<i32>} : memref<16x5120xi32, #tpu.memory_space<vmem>>, vector<16xi32>,
      tpu.vector_store %arg5[%swap3A_70, %swap3A_71], %broadcast_in_dim3A_7 {strides = array<i32>} : memref<16x5120xi32, #tpu.memory_space<vmem>>, vector<16xi32>,
      %swap3A_73 = arith.constant 5 : i32
      %swap3A_74 = arith.index_cast %swap3A_73 : i32 to index
      %swap3A_75 = arith.index_cast %add3A_53 : i32 to index
      %swap3A_76 = tpu.vector_load %arg5[%swap3A_74, %swap3A_75] {strides = array<i32>} : memref<16x5120xi32, #tpu.memory_space<vmem>>, vector<16xi32>,
      tpu.vector_store %arg5[%swap3A_74, %swap3A_75], %broadcast_in_dim3A_7 {strides = array<i32>} : memref<16x5120xi32, #tpu.memory_space<vmem>>, vector<16xi32>,
      %swap3A_77 = arith.constant 6 : i32
      %swap3A_78 = arith.index_cast %swap3A_77 : i32 to index
      %swap3A_79 = arith.index_cast %add3A_53 : i32 to index
      %swap3A_80 = tpu.vector_load %arg5[%swap3A_78, %swap3A_79] {strides = array<i32>} : memref<16x5120xi32, #tpu.memory_space<vmem>>, vector<16xi32>,
      tpu.vector_store %arg5[%swap3A_78, %swap3A_79], %broadcast_in_dim3A_7 {strides = array<i32>} : memref<16x5120xi32, #tpu.memory_space<vmem>>, vector<16xi32>,
      %swap3A_81 = arith.constant 7 : i32
      %swap3A_82 = arith.index_cast %swap3A_81 : i32 to index
      %swap3A_83 = arith.index_cast %add3A_53 : i32 to index
      %swap3A_84 = tpu.vector_load %arg5[%swap3A_82, %swap3A_83] {strides = array<i32>} : memref<16x5120xi32, #tpu.memory_space<vmem>>, vector<16xi32>,
      tpu.vector_store %arg5[%swap3A_82, %swap3A_83], %broadcast_in_dim3A_7 {strides = array<i32>} : memref<16x5120xi32, #tpu.memory_space<vmem>>, vector<16xi32>,
      %swap3A_85 = arith.constant 8 : i32
      %swap3A_86 = arith.index_cast %swap3A_85 : i32 to index
      %swap3A_87 = arith.index_cast %add3A_53 : i32 to index
      %swap3A_88 = tpu.vector_load %arg5[%swap3A_86, %swap3A_87] {strides = array<i32>} : memref<16x5120xi32, #tpu.memory_space<vmem>>, vector<16xi32>,
      tpu.vector_store %arg5[%swap3A_86, %swap3A_87], %broadcast_in_dim3A_7 {strides = array<i32>} : memref<16x5120xi32, #tpu.memory_space<vmem>>, vector<16xi32>,
      %swap3A_89 = arith.constant 9 : i32
      %swap3A_90 = arith.index_cast %swap3A_89 : i32 to index
      %swap3A_91 = arith.index_cast %add3A_53 : i32 to index
      %swap3A_92 = tpu.vector_load %arg5[%swap3A_90, %swap3A_91] {strides = array<i32>} : memref<16x5120xi32, #tpu.memory_space<vmem>>, vector<16xi32>,
      tpu.vector_store %arg5[%swap3A_90, %swap3A_91], %broadcast_in_dim3A_7 {strides = array<i32>} : memref<16x5120xi32, #tpu.memory_space<vmem>>, vector<16xi32>,
      %swap3A_93 = arith.constant 10 : i32
      %swap3A_94 = arith.index_cast %swap3A_93 : i32 to index
      %swap3A_95 = arith.index_cast %add3A_53 : i32 to index
      %swap3A_96 = tpu.vector_load %arg5[%swap3A_94, %swap3A_95] {strides = array<i32>} : memref<16x5120xi32, #tpu.memory_space<vmem>>, vector<16xi32>,
      tpu.vector_store %arg5[%swap3A_94, %swap3A_95], %broadcast_in_dim3A_7 {strides = array<i32>} : memref<16x5120xi32, #tpu.memory_space<vmem>>, vector<16xi32>,
      %swap3A_97 = arith.constant 11 : i32
      %swap3A_98 = arith.index_cast %swap3A_97 : i32 to index
      %swap3A_99 = arith.index_cast %add3A_53 : i32 to index
      %swap3A_100 = tpu.vector_load %arg5[%swap3A_98, %swap3A_99] {strides = array<i32>} : memref<16x5120xi32, #tpu.memory_space<vmem>>, vector<16xi32>,
      tpu.vector_store %arg5[%swap3A_98, %swap3A_99], %broadcast_in_dim3A_7 {strides = array<i32>} : memref<16x5120xi32, #tpu.memory_space<vmem>>, vector<16xi32>,
      %swap3A_101 = arith.constant 12 : i32
      %swap3A_102 = arith.index_cast %swap3A_101 : i32 to index
      %swap3A_103 = arith.index_cast %add3A_53 : i32 to index
      %swap3A_104 = tpu.vector_load %arg5[%swap3A_102, %swap3A_103] {strides = array<i32>} : memref<16x5120xi32, #tpu.memory_space<vmem>>, vector<16xi32>,
      tpu.vector_store %arg5[%swap3A_102, %swap3A_103], %broadcast_in_dim3A_7 {strides = array<i32>} : memref<16x5120xi32, #tpu.memory_space<vmem>>, vector<16xi32>,
      %swap3A_105 = arith.constant 13 : i32
      %swap3A_106 = arith.index_cast %swap3A_105 : i32 to index
      %swap3A_107 = arith.index_cast %add3A_53 : i32 to index
      %swap3A_108 = tpu.vector_load %arg5[%swap3A_106, %swap3A_107] {strides = array<i32>} : memref<16x5120xi32, #tpu.memory_space<vmem>>, vector<16xi32>,
      tpu.vector_store %arg5[%swap3A_106, %swap3A_107], %broadcast_in_dim3A_7 {strides = array<i32>} : memref<16x5120xi32, #tpu.memory_space<vmem>>, vector<16xi32>,
      %swap3A_109 = arith.constant 14 : i32
      %swap3A_110 = arith.index_cast %swap3A_109 : i32 to index
      %swap3A_111 = arith.index_cast %add3A_53 : i32 to index
      %swap3A_112 = tpu.vector_load %arg5[%swap3A_110, %swap3A_111] {strides = array<i32>} : memref<16x5120xi32, #tpu.memory_space<vmem>>, vector<16xi32>,
      tpu.vector_store %arg5[%swap3A_110, %swap3A_111], %broadcast_in_dim3A_7 {strides = array<i32>} : memref<16x5120xi32, #tpu.memory_space<vmem>>, vector<16xi32>,
      %swap3A_113 = arith.constant 15 : i32
      %swap3A_114 = arith.index_cast %swap3A_113 : i32 to index
      %swap3A_115 = arith.index_cast %add3A_53 : i32 to index
      %swap3A_116 = tpu.vector_load %arg5[%swap3A_114, %swap3A_115] {strides = array<i32>} : memref<16x5120xi32, #tpu.memory_space<vmem>>, vector<16xi32>,
      tpu.vector_store %arg5[%swap3A_114, %swap3A_115], %broadcast_in_dim3A_7 {strides = array<i32>} : memref<16x5120xi32, #tpu.memory_space<vmem>>, vector<16xi32>,
    }
    %scan3A_11 = arith.constant 320 : i32
    %scan3A_12 = arith.constant 0 : i32
    %scan3A_13 = arith.constant 625 : i32
    %scan3A_14 = arith.addi %scan3A_12, %scan3A_13 : i32
    %scan3A_15 = arith.constant 1 : i32
    scf.for %scan3A_49 = %scan3A_12 to %scan3A_14 step %scan3A_15  : i32 {
      %mul3A_50 = arith.constant 16 : i32
      %mul3A_51 = arith.muli %scan3A_49, %mul3A_50 : i32
      %add3A_52 = arith.constant 0 : i32
      %add3A_53 = arith.addi %add3A_52, %mul3A_51 : i32
      %get3A = arith.index_cast %add3A_53 : i32 to index
      %get3A_54 = tpu.vector_load %arg4[%get3A] {strides = array<i32>} : memref<10000xi32, #tpu.memory_space<vmem>>, vector<16xi32>,
      %sub3A = arith.constant 0 : i32
      %sub3A_55 = vector.broadcast %sub3A : i32 to vector<16xi32>
      %sub3A_56 = arith.subi %get3A_54, %sub3A_55 : vector<16xi32>
      %ge3A = arith.constant 0 : i32
      %ge3A_57 = vector.broadcast %ge3A : i32 to vector<16xi32>
      %ge3A_58 = arith.cmpi sge, %sub3A_56, %ge3A_57 : vector<16xi32>
      %lt3A = arith.constant 5120 : i32
      %lt3A_59 = vector.broadcast %lt3A : i32 to vector<16xi32>
      %lt3A_60 = arith.cmpi slt, %sub3A_56, %lt3A_59 : vector<16xi32>
      %and3A = arith.andi %ge3A_58, %lt3A_60 : vector<16xi1>
      %jit3A = arith.constant 0 : i32
      %broadcast_in_dim3A_61 = vector.broadcast %jit3A : i32 to vector<16xi32>
      %select_n3A = arith.select %and3A, %sub3A_56, %broadcast_in_dim3A_61 : vector<16xi1>, vector<16xi32>
      tpu.vector_store_idx %arg5[%iota3A, %select_n3A], %broadcast_in_dim3A_5 masked %and3A {add = true} : memref<16x5120xi32, #tpu.memory_space<vmem>>[vector<16xi32>, vector<16xi32>], vector<16xi32>, vector<16xi1>
    }
    %scan3A_16 = arith.constant 625 : i32
    %scan3A_17 = arith.constant 0 : i32
    %scan3A_18 = arith.constant 320 : i32
    %scan3A_19 = arith.addi %scan3A_17, %scan3A_18 : i32
    %scan3A_20 = arith.constant 1 : i32
    scf.for %scan3A_49 = %scan3A_17 to %scan3A_19 step %scan3A_20  : i32 {
      %mul3A_50 = arith.constant 16 : i32
      %mul3A_51 = arith.muli %scan3A_49, %mul3A_50 : i32
      %add3A_52 = arith.constant 0 : i32
      %add3A_53 = arith.addi %add3A_52, %mul3A_51 : i32
      %get3A = arith.constant 0 : i32
      %get3A_54 = arith.index_cast %get3A : i32 to index
      %get3A_55 = arith.index_cast %add3A_53 : i32 to index
      %get3A_56 = tpu.vector_load %arg5[%get3A_54, %get3A_55] {strides = array<i32>} : memref<16x5120xi32, #tpu.memory_space<vmem>>, vector<16xi32>,
      %get3A_57 = arith.constant 1 : i32
      %get3A_58 = arith.index_cast %get3A_57 : i32 to index
      %get3A_59 = arith.index_cast %add3A_53 : i32 to index
      %get3A_60 = tpu.vector_load %arg5[%get3A_58, %get3A_59] {strides = array<i32>} : memref<16x5120xi32, #tpu.memory_space<vmem>>, vector<16xi32>,
      %add3A_61 = arith.addi %get3A_56, %get3A_60 : vector<16xi32>
      %get3A_62 = arith.constant 2 : i32
      %get3A_63 = arith.index_cast %get3A_62 : i32 to index
      %get3A_64 = arith.index_cast %add3A_53 : i32 to index
      %get3A_65 = tpu.vector_load %arg5[%get3A_63, %get3A_64] {strides = array<i32>} : memref<16x5120xi32, #tpu.memory_space<vmem>>, vector<16xi32>,
      %add3A_66 = arith.addi %add3A_61, %get3A_65 : vector<16xi32>
      %get3A_67 = arith.constant 3 : i32
      %get3A_68 = arith.index_cast %get3A_67 : i32 to index
      %get3A_69 = arith.index_cast %add3A_53 : i32 to index
      %get3A_70 = tpu.vector_load %arg5[%get3A_68, %get3A_69] {strides = array<i32>} : memref<16x5120xi32, #tpu.memory_space<vmem>>, vector<16xi32>,
      %add3A_71 = arith.addi %add3A_66, %get3A_70 : vector<16xi32>
      %get3A_72 = arith.constant 4 : i32
      %get3A_73 = arith.index_cast %get3A_72 : i32 to index
      %get3A_74 = arith.index_cast %add3A_53 : i32 to index
      %get3A_75 = tpu.vector_load %arg5[%get3A_73, %get3A_74] {strides = array<i32>} : memref<16x5120xi32, #tpu.memory_space<vmem>>, vector<16xi32>,
      %add3A_76 = arith.addi %add3A_71, %get3A_75 : vector<16xi32>
      %get3A_77 = arith.constant 5 : i32
      %get3A_78 = arith.index_cast %get3A_77 : i32 to index
      %get3A_79 = arith.index_cast %add3A_53 : i32 to index
      %get3A_80 = tpu.vector_load %arg5[%get3A_78, %get3A_79] {strides = array<i32>} : memref<16x5120xi32, #tpu.memory_space<vmem>>, vector<16xi32>,
      %add3A_81 = arith.addi %add3A_76, %get3A_80 : vector<16xi32>
      %get3A_82 = arith.constant 6 : i32
      %get3A_83 = arith.index_cast %get3A_82 : i32 to index
      %get3A_84 = arith.index_cast %add3A_53 : i32 to index
      %get3A_85 = tpu.vector_load %arg5[%get3A_83, %get3A_84] {strides = array<i32>} : memref<16x5120xi32, #tpu.memory_space<vmem>>, vector<16xi32>,
      %add3A_86 = arith.addi %add3A_81, %get3A_85 : vector<16xi32>
      %get3A_87 = arith.constant 7 : i32
      %get3A_88 = arith.index_cast %get3A_87 : i32 to index
      %get3A_89 = arith.index_cast %add3A_53 : i32 to index
      %get3A_90 = tpu.vector_load %arg5[%get3A_88, %get3A_89] {strides = array<i32>} : memref<16x5120xi32, #tpu.memory_space<vmem>>, vector<16xi32>,
      %add3A_91 = arith.addi %add3A_86, %get3A_90 : vector<16xi32>
      %get3A_92 = arith.constant 8 : i32
      %get3A_93 = arith.index_cast %get3A_92 : i32 to index
      %get3A_94 = arith.index_cast %add3A_53 : i32 to index
      %get3A_95 = tpu.vector_load %arg5[%get3A_93, %get3A_94] {strides = array<i32>} : memref<16x5120xi32, #tpu.memory_space<vmem>>, vector<16xi32>,
      %add3A_96 = arith.addi %add3A_91, %get3A_95 : vector<16xi32>
      %get3A_97 = arith.constant 9 : i32
      %get3A_98 = arith.index_cast %get3A_97 : i32 to index
      %get3A_99 = arith.index_cast %add3A_53 : i32 to index
      %get3A_100 = tpu.vector_load %arg5[%get3A_98, %get3A_99] {strides = array<i32>} : memref<16x5120xi32, #tpu.memory_space<vmem>>, vector<16xi32>,
      %add3A_101 = arith.addi %add3A_96, %get3A_100 : vector<16xi32>
      %get3A_102 = arith.constant 10 : i32
      %get3A_103 = arith.index_cast %get3A_102 : i32 to index
      %get3A_104 = arith.index_cast %add3A_53 : i32 to index
      %get3A_105 = tpu.vector_load %arg5[%get3A_103, %get3A_104] {strides = array<i32>} : memref<16x5120xi32, #tpu.memory_space<vmem>>, vector<16xi32>,
      %add3A_106 = arith.addi %add3A_101, %get3A_105 : vector<16xi32>
      %get3A_107 = arith.constant 11 : i32
      %get3A_108 = arith.index_cast %get3A_107 : i32 to index
      %get3A_109 = arith.index_cast %add3A_53 : i32 to index
      %get3A_110 = tpu.vector_load %arg5[%get3A_108, %get3A_109] {strides = array<i32>} : memref<16x5120xi32, #tpu.memory_space<vmem>>, vector<16xi32>,
      %add3A_111 = arith.addi %add3A_106, %get3A_110 : vector<16xi32>
      %get3A_112 = arith.constant 12 : i32
      %get3A_113 = arith.index_cast %get3A_112 : i32 to index
      %get3A_114 = arith.index_cast %add3A_53 : i32 to index
      %get3A_115 = tpu.vector_load %arg5[%get3A_113, %get3A_114] {strides = array<i32>} : memref<16x5120xi32, #tpu.memory_space<vmem>>, vector<16xi32>,
      %add3A_116 = arith.addi %add3A_111, %get3A_115 : vector<16xi32>
      %get3A_117 = arith.constant 13 : i32
      %get3A_118 = arith.index_cast %get3A_117 : i32 to index
      %get3A_119 = arith.index_cast %add3A_53 : i32 to index
      %get3A_120 = tpu.vector_load %arg5[%get3A_118, %get3A_119] {strides = array<i32>} : memref<16x5120xi32, #tpu.memory_space<vmem>>, vector<16xi32>,
      %add3A_121 = arith.addi %add3A_116, %get3A_120 : vector<16xi32>
      %get3A_122 = arith.constant 14 : i32
      %get3A_123 = arith.index_cast %get3A_122 : i32 to index
      %get3A_124 = arith.index_cast %add3A_53 : i32 to index
      %get3A_125 = tpu.vector_load %arg5[%get3A_123, %get3A_124] {strides = array<i32>} : memref<16x5120xi32, #tpu.memory_space<vmem>>, vector<16xi32>,
      %add3A_126 = arith.addi %add3A_121, %get3A_125 : vector<16xi32>
      %get3A_127 = arith.constant 15 : i32
      %get3A_128 = arith.index_cast %get3A_127 : i32 to index
      %get3A_129 = arith.index_cast %add3A_53 : i32 to index
      %get3A_130 = tpu.vector_load %arg5[%get3A_128, %get3A_129] {strides = array<i32>} : memref<16x5120xi32, #tpu.memory_space<vmem>>, vector<16xi32>,
      %add3A_131 = arith.addi %add3A_126, %get3A_130 : vector<16xi32>
      %add3A_132 = arith.constant 0 : i32
      %add3A_133 = arith.addi %add3A_132, %add3A_53 : i32
      %swap3A = arith.index_cast %add3A_133 : i32 to index
      %swap3A_134 = tpu.vector_load %arg6[%swap3A] {strides = array<i32>} : memref<10240xi32, #tpu.memory_space<vmem>>, vector<16xi32>,
      tpu.vector_store %arg6[%swap3A], %add3A_131 {strides = array<i32>} : memref<10240xi32, #tpu.memory_space<vmem>>, vector<16xi32>,
    }
    %scan3A_21 = arith.constant 320 : i32
    %scan3A_22 = arith.constant 0 : i32
    %scan3A_23 = arith.constant 320 : i32
    %scan3A_24 = arith.addi %scan3A_22, %scan3A_23 : i32
    %scan3A_25 = arith.constant 1 : i32
    scf.for %scan3A_49 = %scan3A_22 to %scan3A_24 step %scan3A_25  : i32 {
      %mul3A_50 = arith.constant 16 : i32
      %mul3A_51 = arith.muli %scan3A_49, %mul3A_50 : i32
      %add3A_52 = arith.constant 0 : i32
      %add3A_53 = arith.addi %add3A_52, %mul3A_51 : i32
      %swap3A = arith.constant 0 : i32
      %swap3A_54 = arith.index_cast %swap3A : i32 to index
      %swap3A_55 = arith.index_cast %add3A_53 : i32 to index
      %swap3A_56 = tpu.vector_load %arg5[%swap3A_54, %swap3A_55] {strides = array<i32>} : memref<16x5120xi32, #tpu.memory_space<vmem>>, vector<16xi32>,
      tpu.vector_store %arg5[%swap3A_54, %swap3A_55], %broadcast_in_dim3A_7 {strides = array<i32>} : memref<16x5120xi32, #tpu.memory_space<vmem>>, vector<16xi32>,
      %swap3A_57 = arith.constant 1 : i32
      %swap3A_58 = arith.index_cast %swap3A_57 : i32 to index
      %swap3A_59 = arith.index_cast %add3A_53 : i32 to index
      %swap3A_60 = tpu.vector_load %arg5[%swap3A_58, %swap3A_59] {strides = array<i32>} : memref<16x5120xi32, #tpu.memory_space<vmem>>, vector<16xi32>,
      tpu.vector_store %arg5[%swap3A_58, %swap3A_59], %broadcast_in_dim3A_7 {strides = array<i32>} : memref<16x5120xi32, #tpu.memory_space<vmem>>, vector<16xi32>,
      %swap3A_61 = arith.constant 2 : i32
      %swap3A_62 = arith.index_cast %swap3A_61 : i32 to index
      %swap3A_63 = arith.index_cast %add3A_53 : i32 to index
      %swap3A_64 = tpu.vector_load %arg5[%swap3A_62, %swap3A_63] {strides = array<i32>} : memref<16x5120xi32, #tpu.memory_space<vmem>>, vector<16xi32>,
      tpu.vector_store %arg5[%swap3A_62, %swap3A_63], %broadcast_in_dim3A_7 {strides = array<i32>} : memref<16x5120xi32, #tpu.memory_space<vmem>>, vector<16xi32>,
      %swap3A_65 = arith.constant 3 : i32
      %swap3A_66 = arith.index_cast %swap3A_65 : i32 to index
      %swap3A_67 = arith.index_cast %add3A_53 : i32 to index
      %swap3A_68 = tpu.vector_load %arg5[%swap3A_66, %swap3A_67] {strides = array<i32>} : memref<16x5120xi32, #tpu.memory_space<vmem>>, vector<16xi32>,
      tpu.vector_store %arg5[%swap3A_66, %swap3A_67], %broadcast_in_dim3A_7 {strides = array<i32>} : memref<16x5120xi32, #tpu.memory_space<vmem>>, vector<16xi32>,
      %swap3A_69 = arith.constant 4 : i32
      %swap3A_70 = arith.index_cast %swap3A_69 : i32 to index
      %swap3A_71 = arith.index_cast %add3A_53 : i32 to index
      %swap3A_72 = tpu.vector_load %arg5[%swap3A_70, %swap3A_71] {strides = array<i32>} : memref<16x5120xi32, #tpu.memory_space<vmem>>, vector<16xi32>,
      tpu.vector_store %arg5[%swap3A_70, %swap3A_71], %broadcast_in_dim3A_7 {strides = array<i32>} : memref<16x5120xi32, #tpu.memory_space<vmem>>, vector<16xi32>,
      %swap3A_73 = arith.constant 5 : i32
      %swap3A_74 = arith.index_cast %swap3A_73 : i32 to index
      %swap3A_75 = arith.index_cast %add3A_53 : i32 to index
      %swap3A_76 = tpu.vector_load %arg5[%swap3A_74, %swap3A_75] {strides = array<i32>} : memref<16x5120xi32, #tpu.memory_space<vmem>>, vector<16xi32>,
      tpu.vector_store %arg5[%swap3A_74, %swap3A_75], %broadcast_in_dim3A_7 {strides = array<i32>} : memref<16x5120xi32, #tpu.memory_space<vmem>>, vector<16xi32>,
      %swap3A_77 = arith.constant 6 : i32
      %swap3A_78 = arith.index_cast %swap3A_77 : i32 to index
      %swap3A_79 = arith.index_cast %add3A_53 : i32 to index
      %swap3A_80 = tpu.vector_load %arg5[%swap3A_78, %swap3A_79] {strides = array<i32>} : memref<16x5120xi32, #tpu.memory_space<vmem>>, vector<16xi32>,
      tpu.vector_store %arg5[%swap3A_78, %swap3A_79], %broadcast_in_dim3A_7 {strides = array<i32>} : memref<16x5120xi32, #tpu.memory_space<vmem>>, vector<16xi32>,
      %swap3A_81 = arith.constant 7 : i32
      %swap3A_82 = arith.index_cast %swap3A_81 : i32 to index
      %swap3A_83 = arith.index_cast %add3A_53 : i32 to index
      %swap3A_84 = tpu.vector_load %arg5[%swap3A_82, %swap3A_83] {strides = array<i32>} : memref<16x5120xi32, #tpu.memory_space<vmem>>, vector<16xi32>,
      tpu.vector_store %arg5[%swap3A_82, %swap3A_83], %broadcast_in_dim3A_7 {strides = array<i32>} : memref<16x5120xi32, #tpu.memory_space<vmem>>, vector<16xi32>,
      %swap3A_85 = arith.constant 8 : i32
      %swap3A_86 = arith.index_cast %swap3A_85 : i32 to index
      %swap3A_87 = arith.index_cast %add3A_53 : i32 to index
      %swap3A_88 = tpu.vector_load %arg5[%swap3A_86, %swap3A_87] {strides = array<i32>} : memref<16x5120xi32, #tpu.memory_space<vmem>>, vector<16xi32>,
      tpu.vector_store %arg5[%swap3A_86, %swap3A_87], %broadcast_in_dim3A_7 {strides = array<i32>} : memref<16x5120xi32, #tpu.memory_space<vmem>>, vector<16xi32>,
      %swap3A_89 = arith.constant 9 : i32
      %swap3A_90 = arith.index_cast %swap3A_89 : i32 to index
      %swap3A_91 = arith.index_cast %add3A_53 : i32 to index
      %swap3A_92 = tpu.vector_load %arg5[%swap3A_90, %swap3A_91] {strides = array<i32>} : memref<16x5120xi32, #tpu.memory_space<vmem>>, vector<16xi32>,
      tpu.vector_store %arg5[%swap3A_90, %swap3A_91], %broadcast_in_dim3A_7 {strides = array<i32>} : memref<16x5120xi32, #tpu.memory_space<vmem>>, vector<16xi32>,
      %swap3A_93 = arith.constant 10 : i32
      %swap3A_94 = arith.index_cast %swap3A_93 : i32 to index
      %swap3A_95 = arith.index_cast %add3A_53 : i32 to index
      %swap3A_96 = tpu.vector_load %arg5[%swap3A_94, %swap3A_95] {strides = array<i32>} : memref<16x5120xi32, #tpu.memory_space<vmem>>, vector<16xi32>,
      tpu.vector_store %arg5[%swap3A_94, %swap3A_95], %broadcast_in_dim3A_7 {strides = array<i32>} : memref<16x5120xi32, #tpu.memory_space<vmem>>, vector<16xi32>,
      %swap3A_97 = arith.constant 11 : i32
      %swap3A_98 = arith.index_cast %swap3A_97 : i32 to index
      %swap3A_99 = arith.index_cast %add3A_53 : i32 to index
      %swap3A_100 = tpu.vector_load %arg5[%swap3A_98, %swap3A_99] {strides = array<i32>} : memref<16x5120xi32, #tpu.memory_space<vmem>>, vector<16xi32>,
      tpu.vector_store %arg5[%swap3A_98, %swap3A_99], %broadcast_in_dim3A_7 {strides = array<i32>} : memref<16x5120xi32, #tpu.memory_space<vmem>>, vector<16xi32>,
      %swap3A_101 = arith.constant 12 : i32
      %swap3A_102 = arith.index_cast %swap3A_101 : i32 to index
      %swap3A_103 = arith.index_cast %add3A_53 : i32 to index
      %swap3A_104 = tpu.vector_load %arg5[%swap3A_102, %swap3A_103] {strides = array<i32>} : memref<16x5120xi32, #tpu.memory_space<vmem>>, vector<16xi32>,
      tpu.vector_store %arg5[%swap3A_102, %swap3A_103], %broadcast_in_dim3A_7 {strides = array<i32>} : memref<16x5120xi32, #tpu.memory_space<vmem>>, vector<16xi32>,
      %swap3A_105 = arith.constant 13 : i32
      %swap3A_106 = arith.index_cast %swap3A_105 : i32 to index
      %swap3A_107 = arith.index_cast %add3A_53 : i32 to index
      %swap3A_108 = tpu.vector_load %arg5[%swap3A_106, %swap3A_107] {strides = array<i32>} : memref<16x5120xi32, #tpu.memory_space<vmem>>, vector<16xi32>,
      tpu.vector_store %arg5[%swap3A_106, %swap3A_107], %broadcast_in_dim3A_7 {strides = array<i32>} : memref<16x5120xi32, #tpu.memory_space<vmem>>, vector<16xi32>,
      %swap3A_109 = arith.constant 14 : i32
      %swap3A_110 = arith.index_cast %swap3A_109 : i32 to index
      %swap3A_111 = arith.index_cast %add3A_53 : i32 to index
      %swap3A_112 = tpu.vector_load %arg5[%swap3A_110, %swap3A_111] {strides = array<i32>} : memref<16x5120xi32, #tpu.memory_space<vmem>>, vector<16xi32>,
      tpu.vector_store %arg5[%swap3A_110, %swap3A_111], %broadcast_in_dim3A_7 {strides = array<i32>} : memref<16x5120xi32, #tpu.memory_space<vmem>>, vector<16xi32>,
      %swap3A_113 = arith.constant 15 : i32
      %swap3A_114 = arith.index_cast %swap3A_113 : i32 to index
      %swap3A_115 = arith.index_cast %add3A_53 : i32 to index
      %swap3A_116 = tpu.vector_load %arg5[%swap3A_114, %swap3A_115] {strides = array<i32>} : memref<16x5120xi32, #tpu.memory_space<vmem>>, vector<16xi32>,
      tpu.vector_store %arg5[%swap3A_114, %swap3A_115], %broadcast_in_dim3A_7 {strides = array<i32>} : memref<16x5120xi32, #tpu.memory_space<vmem>>, vector<16xi32>,
    }
    %scan3A_26 = arith.constant 320 : i32
    %scan3A_27 = arith.constant 0 : i32
    %scan3A_28 = arith.constant 625 : i32
    %scan3A_29 = arith.addi %scan3A_27, %scan3A_28 : i32
    %scan3A_30 = arith.constant 1 : i32
    scf.for %scan3A_49 = %scan3A_27 to %scan3A_29 step %scan3A_30  : i32 {
      %mul3A_50 = arith.constant 16 : i32
      %mul3A_51 = arith.muli %scan3A_49, %mul3A_50 : i32
      %add3A_52 = arith.constant 0 : i32
      %add3A_53 = arith.addi %add3A_52, %mul3A_51 : i32
      %get3A = arith.index_cast %add3A_53 : i32 to index
      %get3A_54 = tpu.vector_load %arg4[%get3A] {strides = array<i32>} : memref<10000xi32, #tpu.memory_space<vmem>>, vector<16xi32>,
      %sub3A = arith.constant 5120 : i32
      %sub3A_55 = vector.broadcast %sub3A : i32 to vector<16xi32>
      %sub3A_56 = arith.subi %get3A_54, %sub3A_55 : vector<16xi32>
      %ge3A = arith.constant 0 : i32
      %ge3A_57 = vector.broadcast %ge3A : i32 to vector<16xi32>
      %ge3A_58 = arith.cmpi sge, %sub3A_56, %ge3A_57 : vector<16xi32>
      %lt3A = arith.constant 5120 : i32
      %lt3A_59 = vector.broadcast %lt3A : i32 to vector<16xi32>
      %lt3A_60 = arith.cmpi slt, %sub3A_56, %lt3A_59 : vector<16xi32>
      %and3A = arith.andi %ge3A_58, %lt3A_60 : vector<16xi1>
      %jit3A = arith.constant 0 : i32
      %broadcast_in_dim3A_61 = vector.broadcast %jit3A : i32 to vector<16xi32>
      %select_n3A = arith.select %and3A, %sub3A_56, %broadcast_in_dim3A_61 : vector<16xi1>, vector<16xi32>
      tpu.vector_store_idx %arg5[%iota3A, %select_n3A], %broadcast_in_dim3A_5 masked %and3A {add = true} : memref<16x5120xi32, #tpu.memory_space<vmem>>[vector<16xi32>, vector<16xi32>], vector<16xi32>, vector<16xi1>
    }
    %scan3A_31 = arith.constant 625 : i32
    %scan3A_32 = arith.constant 0 : i32
    %scan3A_33 = arith.constant 320 : i32
    %scan3A_34 = arith.addi %scan3A_32, %scan3A_33 : i32
    %scan3A_35 = arith.constant 1 : i32
    scf.for %scan3A_49 = %scan3A_32 to %scan3A_34 step %scan3A_35  : i32 {
      %mul3A_50 = arith.constant 16 : i32
      %mul3A_51 = arith.muli %scan3A_49, %mul3A_50 : i32
      %add3A_52 = arith.constant 0 : i32
      %add3A_53 = arith.addi %add3A_52, %mul3A_51 : i32
      %get3A = arith.constant 0 : i32
      %get3A_54 = arith.index_cast %get3A : i32 to index
      %get3A_55 = arith.index_cast %add3A_53 : i32 to index
      %get3A_56 = tpu.vector_load %arg5[%get3A_54, %get3A_55] {strides = array<i32>} : memref<16x5120xi32, #tpu.memory_space<vmem>>, vector<16xi32>,
      %get3A_57 = arith.constant 1 : i32
      %get3A_58 = arith.index_cast %get3A_57 : i32 to index
      %get3A_59 = arith.index_cast %add3A_53 : i32 to index
      %get3A_60 = tpu.vector_load %arg5[%get3A_58, %get3A_59] {strides = array<i32>} : memref<16x5120xi32, #tpu.memory_space<vmem>>, vector<16xi32>,
      %add3A_61 = arith.addi %get3A_56, %get3A_60 : vector<16xi32>
      %get3A_62 = arith.constant 2 : i32
      %get3A_63 = arith.index_cast %get3A_62 : i32 to index
      %get3A_64 = arith.index_cast %add3A_53 : i32 to index
      %get3A_65 = tpu.vector_load %arg5[%get3A_63, %get3A_64] {strides = array<i32>} : memref<16x5120xi32, #tpu.memory_space<vmem>>, vector<16xi32>,
      %add3A_66 = arith.addi %add3A_61, %get3A_65 : vector<16xi32>
      %get3A_67 = arith.constant 3 : i32
      %get3A_68 = arith.index_cast %get3A_67 : i32 to index
      %get3A_69 = arith.index_cast %add3A_53 : i32 to index
      %get3A_70 = tpu.vector_load %arg5[%get3A_68, %get3A_69] {strides = array<i32>} : memref<16x5120xi32, #tpu.memory_space<vmem>>, vector<16xi32>,
      %add3A_71 = arith.addi %add3A_66, %get3A_70 : vector<16xi32>
      %get3A_72 = arith.constant 4 : i32
      %get3A_73 = arith.index_cast %get3A_72 : i32 to index
      %get3A_74 = arith.index_cast %add3A_53 : i32 to index
      %get3A_75 = tpu.vector_load %arg5[%get3A_73, %get3A_74] {strides = array<i32>} : memref<16x5120xi32, #tpu.memory_space<vmem>>, vector<16xi32>,
      %add3A_76 = arith.addi %add3A_71, %get3A_75 : vector<16xi32>
      %get3A_77 = arith.constant 5 : i32
      %get3A_78 = arith.index_cast %get3A_77 : i32 to index
      %get3A_79 = arith.index_cast %add3A_53 : i32 to index
      %get3A_80 = tpu.vector_load %arg5[%get3A_78, %get3A_79] {strides = array<i32>} : memref<16x5120xi32, #tpu.memory_space<vmem>>, vector<16xi32>,
      %add3A_81 = arith.addi %add3A_76, %get3A_80 : vector<16xi32>
      %get3A_82 = arith.constant 6 : i32
      %get3A_83 = arith.index_cast %get3A_82 : i32 to index
      %get3A_84 = arith.index_cast %add3A_53 : i32 to index
      %get3A_85 = tpu.vector_load %arg5[%get3A_83, %get3A_84] {strides = array<i32>} : memref<16x5120xi32, #tpu.memory_space<vmem>>, vector<16xi32>,
      %add3A_86 = arith.addi %add3A_81, %get3A_85 : vector<16xi32>
      %get3A_87 = arith.constant 7 : i32
      %get3A_88 = arith.index_cast %get3A_87 : i32 to index
      %get3A_89 = arith.index_cast %add3A_53 : i32 to index
      %get3A_90 = tpu.vector_load %arg5[%get3A_88, %get3A_89] {strides = array<i32>} : memref<16x5120xi32, #tpu.memory_space<vmem>>, vector<16xi32>,
      %add3A_91 = arith.addi %add3A_86, %get3A_90 : vector<16xi32>
      %get3A_92 = arith.constant 8 : i32
      %get3A_93 = arith.index_cast %get3A_92 : i32 to index
      %get3A_94 = arith.index_cast %add3A_53 : i32 to index
      %get3A_95 = tpu.vector_load %arg5[%get3A_93, %get3A_94] {strides = array<i32>} : memref<16x5120xi32, #tpu.memory_space<vmem>>, vector<16xi32>,
      %add3A_96 = arith.addi %add3A_91, %get3A_95 : vector<16xi32>
      %get3A_97 = arith.constant 9 : i32
      %get3A_98 = arith.index_cast %get3A_97 : i32 to index
      %get3A_99 = arith.index_cast %add3A_53 : i32 to index
      %get3A_100 = tpu.vector_load %arg5[%get3A_98, %get3A_99] {strides = array<i32>} : memref<16x5120xi32, #tpu.memory_space<vmem>>, vector<16xi32>,
      %add3A_101 = arith.addi %add3A_96, %get3A_100 : vector<16xi32>
      %get3A_102 = arith.constant 10 : i32
      %get3A_103 = arith.index_cast %get3A_102 : i32 to index
      %get3A_104 = arith.index_cast %add3A_53 : i32 to index
      %get3A_105 = tpu.vector_load %arg5[%get3A_103, %get3A_104] {strides = array<i32>} : memref<16x5120xi32, #tpu.memory_space<vmem>>, vector<16xi32>,
      %add3A_106 = arith.addi %add3A_101, %get3A_105 : vector<16xi32>
      %get3A_107 = arith.constant 11 : i32
      %get3A_108 = arith.index_cast %get3A_107 : i32 to index
      %get3A_109 = arith.index_cast %add3A_53 : i32 to index
      %get3A_110 = tpu.vector_load %arg5[%get3A_108, %get3A_109] {strides = array<i32>} : memref<16x5120xi32, #tpu.memory_space<vmem>>, vector<16xi32>,
      %add3A_111 = arith.addi %add3A_106, %get3A_110 : vector<16xi32>
      %get3A_112 = arith.constant 12 : i32
      %get3A_113 = arith.index_cast %get3A_112 : i32 to index
      %get3A_114 = arith.index_cast %add3A_53 : i32 to index
      %get3A_115 = tpu.vector_load %arg5[%get3A_113, %get3A_114] {strides = array<i32>} : memref<16x5120xi32, #tpu.memory_space<vmem>>, vector<16xi32>,
      %add3A_116 = arith.addi %add3A_111, %get3A_115 : vector<16xi32>
      %get3A_117 = arith.constant 13 : i32
      %get3A_118 = arith.index_cast %get3A_117 : i32 to index
      %get3A_119 = arith.index_cast %add3A_53 : i32 to index
      %get3A_120 = tpu.vector_load %arg5[%get3A_118, %get3A_119] {strides = array<i32>} : memref<16x5120xi32, #tpu.memory_space<vmem>>, vector<16xi32>,
      %add3A_121 = arith.addi %add3A_116, %get3A_120 : vector<16xi32>
      %get3A_122 = arith.constant 14 : i32
      %get3A_123 = arith.index_cast %get3A_122 : i32 to index
      %get3A_124 = arith.index_cast %add3A_53 : i32 to index
      %get3A_125 = tpu.vector_load %arg5[%get3A_123, %get3A_124] {strides = array<i32>} : memref<16x5120xi32, #tpu.memory_space<vmem>>, vector<16xi32>,
      %add3A_126 = arith.addi %add3A_121, %get3A_125 : vector<16xi32>
      %get3A_127 = arith.constant 15 : i32
      %get3A_128 = arith.index_cast %get3A_127 : i32 to index
      %get3A_129 = arith.index_cast %add3A_53 : i32 to index
      %get3A_130 = tpu.vector_load %arg5[%get3A_128, %get3A_129] {strides = array<i32>} : memref<16x5120xi32, #tpu.memory_space<vmem>>, vector<16xi32>,
      %add3A_131 = arith.addi %add3A_126, %get3A_130 : vector<16xi32>
      %add3A_132 = arith.constant 5120 : i32
      %add3A_133 = arith.addi %add3A_132, %add3A_53 : i32
      %swap3A = arith.index_cast %add3A_133 : i32 to index
      %swap3A_134 = tpu.vector_load %arg6[%swap3A] {strides = array<i32>} : memref<10240xi32, #tpu.memory_space<vmem>>, vector<16xi32>,
      tpu.vector_store %arg6[%swap3A], %add3A_131 {strides = array<i32>} : memref<10240xi32, #tpu.memory_space<vmem>>, vector<16xi32>,
    }
    %scan3A_36 = arith.constant 320 : i32
    %dma_start3A_37 = arith.constant 0 : i32
    %dma_start3A_38 = tpu.memref_slice %arg3[%add3A, %dma_start3A_37] : memref<32x10240xi32, #tpu.memory_space<hbm>> -> memref<1x10240xi32, #tpu.memory_space<hbm>>
    %dma_start3A_39 = tpu.memref_squeeze %dma_start3A_38 : memref<1x10240xi32, #tpu.memory_space<hbm>> -> memref<10240xi32, #tpu.memory_space<hbm>>
    %dma_start3A_40 = arith.constant 0 : i32
    %dma_start3A_41 = tpu.memref_slice %arg3[%add3A, %dma_start3A_40] : memref<32x10240xi32, #tpu.memory_space<hbm>> -> memref<1x10240xi32, #tpu.memory_space<hbm>>
    %dma_start3A_42 = tpu.memref_squeeze %dma_start3A_41 : memref<1x10240xi32, #tpu.memory_space<hbm>> -> memref<10240xi32, #tpu.memory_space<hbm>>
    tpu.enqueue_dma source(%arg6 : memref<10240xi32, #tpu.memory_space<vmem>>) target(%dma_start3A_42 : memref<10240xi32, #tpu.memory_space<hbm>>) target_semaphore(%arg7 : memref<!tpu.dma_semaphore, #tpu.memory_space<semaphore_mem>>)
    %dma_wait3A_43 = arith.constant 0 : i32
    %dma_wait3A_44 = tpu.memref_slice %arg3[%add3A, %dma_wait3A_43] : memref<32x10240xi32, #tpu.memory_space<hbm>> -> memref<1x10240xi32, #tpu.memory_space<hbm>>
    %dma_wait3A_45 = tpu.memref_squeeze %dma_wait3A_44 : memref<1x10240xi32, #tpu.memory_space<hbm>> -> memref<10240xi32, #tpu.memory_space<hbm>>
    %dma_wait3A_46 = arith.constant 0 : i32
    %dma_wait3A_47 = tpu.memref_slice %arg3[%add3A, %dma_wait3A_46] : memref<32x10240xi32, #tpu.memory_space<hbm>> -> memref<1x10240xi32, #tpu.memory_space<hbm>>
    %dma_wait3A_48 = tpu.memref_squeeze %dma_wait3A_47 : memref<1x10240xi32, #tpu.memory_space<hbm>> -> memref<10240xi32, #tpu.memory_space<hbm>>
    tpu.wait_dma2 semaphore(%arg7 : memref<!tpu.dma_semaphore, #tpu.memory_space<semaphore_mem>>) src(%arg6 : memref<10240xi32, #tpu.memory_space<vmem>>) dst(%dma_wait3A_48 : memref<10240xi32, #tpu.memory_space<hbm>>)
    return
  }
}

</mosaic_0001>

<sc_bundles>
// kernel: _sc_hist.3.cloned.1.call-start
scs
__scs_entry_jumppad:
0x0: {  	(pc) =	sbr.rel $0x88, $3  }
0x1: {  	(tag) =	ssettag $0x0;
	lr =	simm.s32 $0x1  }
0x2: {  	[smem:$0x3FA0] =	sst lr;
	_ =	strace $0xD0000000  }
0x3: {  	_ = 	snop  }
0x4: {  	_ = 	snop  }
0x5: {  	_ = 	snop  }
0x6: {  	_ = 	snop  }
0x7: {  	_ = 	snop  }
__scs_overlays_trampoline_lowered:
0x8: {  	[smem:$0x3FAF] =	sst s0  }
0x9: {  	[smem:$0x3FB0] =	sst s1  }
0xa: {  	[smem:$0x3FB1] =	sst s2  }
0xb: {  	[smem:$0x3FB2] =	sst s3  }
0xc: {  	[smem:$0x3FB3] =	sst s4  }
0xd: {  	[smem:$0x3FB4] =	sst s5  }
0xe: {  	[smem:$0x3FB5] =	sst s6  }
0xf: {  	[smem:$0x3FB6] =	sst s7  }
0x10: {  	[smem:$0x3FB7] =	sst s8  }
0x11: {  	[smem:$0x3FB8] =	sst s9;
	s0 =	simm.s32 @!p0 $0x0  }
0x12: {  	s1 =	sld [smem:$0x3F9E];
	s0 =	simm.s32 @p0 $0x1  }
0x13: {  	[smem:$0x3FB9] =	sst s0;
	s0 =	simm.s32 @!p1 $0x0  }
0x14: {  	s2 =	sld [smem:$0x3F9D];
	s0 =	simm.s32 @p1 $0x1  }
0x15: {  	[smem:$0x3FBA] =	sst s0;
	s0 =	simm.s32 @!p2 $0x0  }
0x16: {  	s3 =	sld [smem:$0x3FDB];
	s0 =	simm.s32 @p2 $0x1  }
0x17: {  	s4 =	simm.s32 $0x1BF5;
	[smem:$0x3FBC] =	sst s0  }
0x18: {  	s0 =	sld [smem:$0x3F9F];
	_ =	swait.ge [sflag:s4], $0x0  }
0x19: {  	s7 =	sld [smem:$0x3FA0]  }
0x1a: {  	s8 =	sadd.s32 $0xFFFFE003, lr  }
0x1b: {  	s9 =	sadd.s32 $0xFFFFFEF7, lr;
	s5 =	simm.s32 $0xFFFFFFFF;
	p2 =	slt.u32 s8, $0xFFFFF086  }
0x1c: {  	p1 =	slt.u32 s9, $0xF7A;
	s5 =	simm.s32 @!p2 $0x0  }
0x1d: {  	s5 =	simm.s32 @p1 $0x1;
	p0 =	seq.s32 s7, s2  }
0x1e: {  	s7 =	smul.u32 @!p0 $0xF7A, s2;
	p2 =	seq.s32 @!p0 s5, $0x0  }
0x1f: {  	s9 =	smul.u32 $0xF7A, s1;
	s8 =	simm.s32 @!p0 $0x1BF5;
	p2 =	por !p2, p0  }
0x20: {  	[sflag:s8] =	ssyncset.s32 @!p0 $0xFFFFF086;
	s6 =	sadd.s32 @!p0 s3, s7;
	s7 =	simm.s32 @!p0 $0x108  }
0x21: {  	s3 =	sadd.s32 s3, s9;
	s6 =	sadd.s32 @!p0 $0x88, s6;
	s7 =	simm.s32 @p2 $0x1082  }
0x22: {  	[simem:s7], [sflag:s8] =	dma.local @!p0 [hbm:s6], $0xF7A  }
0x23: {  	s9 =	sor.u32 $0xD0000000, s2;
	s6 =	simm.s32 $0x108;
	_ =	swait.ge @!p0 [sflag:s8], $0x0  }
0x24: {  	s3 =	sadd.s32 $0x88, s3;
	s6 =	simm.s32 @!p1 $0x1082;
	[sflag:s4] =	ssyncset.s32 $0xFFFFF086  }
0x25: {  	[simem:s6], [sflag:s4] =	dma.local [hbm:s3], $0xF7A  }
0x26: {  	[smem:$0x3FA0] =	sst s1;
	(tag) =	ssettag s2;
	_ =	strace s9  }
0x27: {  	s1 =	sld [smem:$0x3FB0]  }
0x28: {  	s2 =	sld [smem:$0x3FB1]  }
0x29: {  	s4 =	sld [smem:$0x3FB3]  }
0x2a: {  	p0 =	seq.s32 s5, $0x0;
	s5 =	sld [smem:$0x3FB4]  }
0x2b: {  	s6 =	sld [smem:$0x3FB5]  }
0x2c: {  	s7 =	sld [smem:$0x3FB6]  }
0x2d: {  	s3 =	simm.s32 $0x108;
	s8 =	sld [smem:$0x3FB7]  }
0x2e: {  	s3 =	simm.s32 @!p0 $0x1082;
	s9 =	sld [smem:$0x3FB8]  }
0x2f: {  	lr =	sadd.s32 s0, s3;
	s0 =	sld [smem:$0x3FAF]  }
0x30: {  	s3 =	sld [smem:$0x3FB2]  }
0x31: {  	[smem:$0x3FBB] =	sst s10  }
0x32: {  	s10 =	sld [smem:$0x3FB9];
	_ =	sdelay $0x3  }
0x33: {  	p0 =	seq.s32 s10, $0x1;
	s10 =	sld [smem:$0x3FBB];
	_ =	sdelay $0x3  }
0x34: {  	[smem:$0x3FBB] =	sst s10  }
0x35: {  	s10 =	sld [smem:$0x3FBA];
	_ =	sdelay $0x3  }
0x36: {  	p1 =	seq.s32 s10, $0x1;
	s10 =	sld [smem:$0x3FBB];
	_ =	sdelay $0x3  }
0x37: {  	[smem:$0x3FBB] =	sst s10  }
0x38: {  	s10 =	sld [smem:$0x3FBC]  }
0x39: {  	_ = 	snop;
	(pc) =	sbr.ind lr, $3  }
0x3a: {  	_ = 	snop  }
0x3b: {  	_ = 	snop  }
0x3c: {  	p2 =	seq.s32 s10, $0x1;
	s10 =	sld [smem:$0x3FBB]  }
0x3d: {  	_ =	shalt  }
0x3e: {  	_ =	shalt  }
0x3f: {  	_ =	shalt  }
0x40: {  	_ =	shalt  }
0x41: {  	_ =	shalt  }
0x42: {  	_ =	shalt  }
0x43: {  	_ =	shalt  }
0x44: {  	_ =	shalt  }
0x45: {  	_ =	shalt  }
0x46: {  	_ =	shalt  }
0x47: {  	_ =	shalt  }
0x48: {  	_ =	shalt  }
0x49: {  	_ =	shalt  }
0x4a: {  	_ =	shalt  }
0x4b: {  	_ =	shalt  }
0x4c: {  	_ =	shalt  }
0x4d: {  	_ =	shalt  }
0x4e: {  	_ =	shalt  }
0x4f: {  	_ =	shalt  }
0x50: {  	_ =	shalt  }
0x51: {  	_ =	shalt  }
0x52: {  	_ =	shalt  }
0x53: {  	_ =	shalt  }
0x54: {  	_ =	shalt  }
0x55: {  	_ =	shalt  }
0x56: {  	_ =	shalt  }
0x57: {  	_ =	shalt  }
0x58: {  	_ =	shalt  }
0x59: {  	_ =	shalt  }
0x5a: {  	_ =	shalt  }
0x5b: {  	_ =	shalt  }
0x5c: {  	_ =	shalt  }
0x5d: {  	_ =	shalt  }
0x5e: {  	_ =	shalt  }
0x5f: {  	_ =	shalt  }
0x60: {  	_ =	shalt  }
0x61: {  	_ =	shalt  }
0x62: {  	_ =	shalt  }
0x63: {  	_ =	shalt  }
0x64: {  	_ =	shalt  }
0x65: {  	_ =	shalt  }
0x66: {  	_ =	shalt  }
0x67: {  	_ =	shalt  }
0x68: {  	_ =	shalt  }
0x69: {  	_ =	shalt  }
0x6a: {  	_ =	shalt  }
0x6b: {  	_ =	shalt  }
0x6c: {  	_ =	shalt  }
0x6d: {  	_ =	shalt  }
0x6e: {  	_ =	shalt  }
0x6f: {  	_ =	shalt  }
0x70: {  	_ =	shalt  }
0x71: {  	_ =	shalt  }
0x72: {  	_ =	shalt  }
0x73: {  	_ =	shalt  }
0x74: {  	_ =	shalt  }
0x75: {  	_ =	shalt  }
0x76: {  	_ =	shalt  }
0x77: {  	_ =	shalt  }
0x78: {  	_ =	shalt  }
0x79: {  	_ =	shalt  }
0x7a: {  	_ =	shalt  }
0x7b: {  	_ =	shalt  }
0x7c: {  	_ =	shalt  }
0x7d: {  	_ =	shalt  }
0x7e: {  	_ =	shalt  }
0x7f: {  	_ =	shalt  }
0x80: {  	_ =	shalt  }
0x81: {  	_ =	shalt  }
0x82: {  	_ =	shalt  }
0x83: {  	_ =	shalt  }
0x84: {  	_ =	shalt  }
0x85: {  	_ =	shalt  }
0x86: {  	_ =	shalt  }
0x87: {  	_ =	shalt  }
.Lfunc_end0:
.L_simem_size_0:
called_computation_lowered:
.L_overlay_start_0:
0x88: {  	s2 =	sld [smem:$0x3FD9]  }
0x89: {  	s3 =	sld [smem:$0x3FFE];
	_ =	sdelay $0x1  }
0x8a: {  	s1 =	srdreg.scid  }
0x8b: {  	s0 =	sand.u32 $0x1, s1  }
0x8c: {  	s18 =	sshll.u32 s0, $0xA;
	s2 =	sadd.s32 s3, s2  }
0x8d: {  	s2 =	sadd.s32 s2, s18  }
0x8e: {  	[smem:$0x3FC7] =	sst s2  }
0x8f: {  	_ = 	snop  }
0x90: {  	s2 =	sld [smem:$0x3FC9]  }
0x91: {  	s19 =	sld [smem:$0x3FD0];
	(tm) =	ssettm $0x1  }
0x92: {  	s4 =	sld [smem:$0x3FFB];
	_ =	sdelay $0x3  }
0x93: {  	_ =	strace s4  }
0x94: {  	s4 =	sld [smem:$0x3FFC];
	_ =	sdelay $0x3  }
0x95: {  	_ =	strace s4  }
0x96: {  	s4 =	sld [smem:$0x3FFD];
	_ =	sdelay $0x3  }
0x97: {  	_ =	strace s4  }
0x98: {  	_ =	strace $0x8FFFFFFF  }
0x99: {  	s20 =	sld [smem:$0x3FDB];
	_ =	sdelay $0x1  }
0x9a: {  	s5 =	simm.s32 $_scs_section_size  }
0x9b: {  	s6 =	simm.s32 $_size__tile_overlayer_lowered;
	s7 =	simm.s32 $_tile_overlayer_lowered  }
0x9c: {  	s23 =	simm.s32 $0x1BFF;
	s22 =	sshll.u32 s7, $0x1;
	s4 =	sadd.s32 s5, s20  }
0x9d: {  	s8 =	simm.s32 $0x0;
	s21 =	sshll.u32 s6, $0x1;
	s6 =	sadd.s32 s22, s4  }
0x9e: {  	[timem:s8], [sflag:s23] =	dma.local [hbm:s6], s21  }
0x9f: {  	_ =	swait.ge [sflag:s23], s21  }
0xa0: {  	s5 =	ssub.s32 $0x0, s21;
	[sflag:s23] =	ssyncset.done $0x0  }
0xa1: {  	[sflag:s23] =	ssyncadd.s32 s5;
	_ =	sdelay $0x1  }
0xa2: {  	s24 =	simm.s32 $0x1B8B  }
0xa3: {  	_ =	swait.ge [sflag:s24], $0x1  }
0xa4: {  	[sflag:s24] =	ssyncset.done $0x0  }
0xa5: {  	s25 =	simm.s32 $0x1B8E;
	[sflag:s24] =	ssyncadd.s32 $0xFFFFFFFF  }
0xa6: {  	s26 =	simm.s32 $execute0_lowered;
	[smem:$0x3FD2] =	sst s25  }
0xa7: {  	s5 =	sshll.u32 s26, $0x1;
	_ =	strace $0x80000046;
	[dreg:$0x1] =	wrdreg $0xFFFFFFFF  }
0xa8: {  	s28 =	simm.s32 $_size_execute0_lowered;
	s4 =	sadd.s32 s4, s5;
	[dreg:$0x0] =	wrdreg $0x0  }
0xa9: {  	s5 =	sshll.u32 s28, $0x1;
	[dreg:$0x2] =	wrdreg s4  }
0xaa: {  	[dreg:$0x3] =	wrdreg s5  }
0xab: {  	[dreg:$0x4] =	wrdreg $0xC0  }
0xac: {  	_ =	task [dreg:s8], $0x5FFFF  }
0xad: {  	[dreg:$0x1] =	wrdreg $0xFFFFFFFF  }
0xae: {  	[dreg:$0x0] =	wrdreg $0x60  }
0xaf: {  	[dreg:$0x2] =	wrdreg s2  }
0xb0: {  	[dreg:$0x3] =	wrdreg s19  }
0xb1: {  	[dreg:$0x4] =	wrdreg $0x9  }
0xb2: {  	_ =	task.clear_ibuf [dreg:s8], $0x5FFFF;
	_ =	strace $0x90000046  }
0xb3: {  	s29 =	simm.s32 $0x9;
	_ =	strace $0x80000048  }
0xb4: {  	_ =	swait.ge [sflag:s29], $0x1  }
0xb5: {  	[sflag:s29] =	ssyncadd.s32 $0xFFFFFFFF  }
0xb6: {  	_ =	strace $0x90000048  }
0xb7: {  	_ =	sfence  }
0xb8: {  	s30 =	sld [smem:$0x0];
	_ =	sdelay $0x2  }
0xb9: {  	s31 =	sshll.u32 s1, $0xD;
	s1 =	sshrl.u32 s1, $0x2  }
0xba: {  	s3 =	sand.u32 $0x4000, s31;
	s1 =	sadd.s32 s1, s30  }
0xbb: {  	s0 =	sor.u32 s3, s0;
	s1 =	sshll.u32 s1, $0x11  }
0xbc: {  	s0 =	sor.u32 s1, s0  }
0xbd: {  	s0 =	sadd.s32 $0x8F2B, s0  }
0xbe: {  	[sflag:s0] =	ssyncadd.remote.s32 $0x1  }
0xbf: {  	_ =	sfence.sel $0xFFFF  }
0xc0: {  	[dreg:$0x0] =	wrdreg $0xFFFFFFFF;
	(pc) =	sbr.abs _section_cstart, $3  }
0xc1: {  	[dreg:$0x1] =	wrdreg $0xFFFFFFFF  }
0xc2: {  	_ =	task.clear_ibuf [dreg:s8], $0x2FFFF;
	_ =	strace $0x9FFFFFFF  }
0xc3: {  	(tm) =	ssettm $0x7FFFFFFF  }
tec
execute0_lowered:
.L_overlay_start_1:
0x0: {  	(tag) =	ssettag $0x1  }
0x1: {  	v0 =	vimm.s32 $0xA380;
	vm0 =	vcmask $0x300  }
0x2: {  	vm14 =	vcmask $0x704;
	v0 =	vsel vm0, $0x0, v0  }
0x3: {  	vm15 =	vcmask $0xB08;
	v0 =	vsel vm14, $0x80, v0  }
0x4: {  	vm4 =	vcmask $0xF0C;
	v0 =	vsel vm15, $0x100, v0  }
0x5: {  	vm5 =	vcmask $0x1310;
	v0 =	vsel vm4, $0x180, v0  }
0x6: {  	s3 =	rddreg [dreg:$0x0];
	vm6 =	vcmask $0x1714;
	v0 =	vsel vm5, $0x200, v0  }
0x7: {  	s1 =	srdreg.scid;
	s0 =	stileid.u32;
	vm7 =	vcmask $0x1B18;
	v0 =	vsel vm6, $0x280, v0  }
0x8: {  	s4 =	rddreg [dreg:$0x1];
	vm8 =	vcmask $0x1F1C;
	s10 =	simm.s32 $0x16780;
	s11 =	simm.s32 $0x0;
	v0 =	vsel vm7, $0x300, v0  }
0x9: {  	vm9 =	vcmask $0x2320;
	s5 =	sand.u32 $0x1, s1;
	s2 =	sshll.u32 s0, $0x1;
	s1 =	rddreg [dreg:$0x2];
	v0 =	vsel vm8, $0x380, v0  }
0xa: {  	vm10 =	vcmask $0x2724;
	s7 =	sshrl.u32 s0, $0x2;
	s6 =	sor.u32 s5, s2;
	s2 =	simm.s32 $0x0;
	v0 =	vsel vm9, $0xA000, v0  }
0xb: {  	vm11 =	vcmask $0x2B28;
	s7 =	smul.u32 $0x14000, s7;
	s5 =	ssub.s32 $0x2, s5;
	s8 =	sshll.u32 s6, $0x7;
	v0 =	vsel vm10, $0xA080, v0  }
0xc: {  	vm12 =	vcmask $0x2F2C;
	[smem:$0x7FF] =	sst s2;
	s9 =	sshrl.u32 s5, $0x1;
	s6 =	smul.u32 $0x4E2, s6;
	v0 =	vsel vm11, $0xA100, v0  }
0xd: {  	vm13 =	vcmask $0x3330;
	s8 =	sand.u32 $0x380, s8;
	_ =	strace $0x80000047;
	s5 =	ssub.s32 s5, s9;
	v0 =	vsel vm12, $0xA180, v0  }
0xe: {  	vm14 =	vcmask $0x3734;
	s9 =	simm.s32 $0x400;
	s7 =	sor.u32 s7, s8;
	s3 =	sadd.s32 s3, s6;
	v0 =	vsel vm13, $0xA200, v0  }
0xf: {  	vm15 =	vcmask $0x3B38;
	s5 =	smax.u32 s5, $0x1;
	s6 =	simm.s32 $0x1;
	s7 =	sshrl.u32 s7, $0x3;
	v1 =	vsel vm14, $0xA280, v0  }
0x10: {  	v2 =	vimm.s32 $0x1;
	s8 =	simm.s32 $0x80;
	s4 =	sadd.s32 s4, s7;
	s7 =	simm.s32 $0x2780;
	v0 =	vimm.s32 $0x0;
	v1 =	vsel vm15, $0xA300, v1  }
.LBB2_1:
0x11: {  	[tilespmem:s2], [sflag:$0x1] =	stream.linear.gather [hbm4b:s3+s2], $0x2710, $0x38;
	[tilespmem:$0x18F80] =	vst v63  }
0x12: {  	_ =	swait.ge [sflag:s6], $0x2710  }
0x13: {  	s12 =	sand.u32 $0x70, s2;
	s13 =	sand.u32 $0xFC00, s2;
	[sflag:s6] =	ssyncset.done $0x0  }
0x14: {  	s12 =	sor.u32 s12, s13;
	[sflag:s6] =	ssyncadd.s32 $0xFFFFD8F0  }
0x15: {  	[tilespmem:s12+$0x2800] =	vst v0  }
0x16: {  	[tilespmem:s12+$0x2880] =	vst v0  }
0x17: {  	s16 =	sand.u32 $0x7, s2;
	[tilespmem:s12+$0x2900] =	vst v0  }
0x18: {  	s14 =	simm.s32 $0x10;
	s15 =	simm.s32 $0x0;
	s13 =	simm.s32 $0x0;
	[tilespmem:s12+$0x2980] =	vst v0  }
.LBB2_2:
0x19: {  	p0 =	sne.s32 s14, $0x13F0;
	s16 =	sshll.u32 s16, $0x4;
	[tilespmem:s12+$0x2A00] =	vst v0  }
0x1a: {  	s16 =	sadd.s32 s16, s13;
	[tilespmem:s12+$0x2A80] =	vst v0  }
0x1b: {  	[tilespmem:s12+$0x2780] =	vst v0;
	s16 =	sor.u32 $0x380, s16  }
0x1c: {  	[tilespmem:s16+$0x2780] =	vst v0  }
0x1d: {  	[tilespmem:s12+$0xC780] =	vst v0  }
0x1e: {  	[tilespmem:s12+$0xC800] =	vst v0  }
0x1f: {  	[tilespmem:s12+$0xC880] =	vst v0  }
0x20: {  	[tilespmem:s12+$0xC900] =	vst v0  }
0x21: {  	[tilespmem:s12+$0xC980] =	vst v0  }
0x22: {  	s13 =	sadd.s32 $0x80, s13;
	[tilespmem:s12+$0xCA00] =	vst v0  }
0x23: {  	s17 =	sand.u32 $0xFC00, s13;
	s16 =	sand.u32 $0x70, s14;
	[tilespmem:s12+$0xCA80] =	vst v0  }
.Ltmp0:
0x24: {  	[tilespmem:s12+$0xCB00] =	vst v0;
	s12 =	sor.u32 s16, s17;
	(pc) =	sbr.rel @p0 .LBB2_2-.Ltmp0, $4  }
0x25: {  	[tilespmem:s12+$0x2800] =	vst v0  }
0x26: {  	[tilespmem:s12+$0x2880] =	vst v0  }
0x27: {  	s15 =	sadd.s32 $0x1, s15;
	[tilespmem:s12+$0x2900] =	vst v0  }
0x28: {  	s14 =	sadd.s32 $0x10, s14;
	s16 =	sand.u32 $0x7, s15;
	[tilespmem:s12+$0x2980] =	vst v0  }
0x29: {  	s14 =	sshll.u32 s16, $0x4;
	[tilespmem:s12+$0x2A00] =	vst v0  }
0x2a: {  	[tilespmem:s12+$0x2A80] =	vst v0;
	s13 =	sadd.s32 s14, s13  }
0x2b: {  	[tilespmem:s12+$0x2780] =	vst v0;
	s13 =	sor.u32 $0x380, s13  }
0x2c: {  	[tilespmem:s13+$0x2780] =	vst v0  }
0x2d: {  	[tilespmem:s12+$0xC780] =	vst v0  }
0x2e: {  	[tilespmem:s12+$0xC800] =	vst v0  }
0x2f: {  	[tilespmem:s12+$0xC880] =	vst v0  }
0x30: {  	[tilespmem:s12+$0xC900] =	vst v0  }
0x31: {  	[tilespmem:s12+$0xC980] =	vst v0  }
0x32: {  	[tilespmem:s12+$0xCA00] =	vst v0  }
0x33: {  	[tilespmem:s12+$0xCA80] =	vst v0  }
0x34: {  	s13 =	simm.s32 $0x0;
	[tilespmem:s12+$0xCB00] =	vst v0;
	s12 =	simm.s32 $0x0  }
.LBB2_4:
0x35: {  	s14 =	sshra.s32 s12, $0x2  }
0x36: {  	v3 =	vld [tilespmem:s14+$0x0];
	_ =	sdelay $0x4  }
0x37: {  	vm0 =	vlt.u32 v3, $0x1400  }
0x38: {  	v3 =	vnsel vm0, $0x0, v3  }
0x39: {  	v4 =	vshll.u32 v3, $0x3  }
0x3a: {  	v3 =	vand.u32 $0x7F, v3;
	v4 =	vand.u32 $0xFFFFFC00, v4  }
0x3b: {  	v3 =	vor.u32 v3, v4  }
0x3c: {  	p0 =	sne.s32 s12, $0x9C00;
	v3 =	vadd.s32 v1, v3  }
.Ltmp1:
0x3d: {  	_ = 	snop;
	(pc) =	sbr.rel @p0 .LBB2_4-.Ltmp1, $2  }
0x3e: {  	_ =	sdelay $0x2  }
0x3f: {  	s12 =	sadd.s32 $0x40, s12;
	[tilespmem:v3+s7+$0x0] =	vst.idx.add.s32.msk vm0, v2  }
0x40: {  	s12 =	sand.u32 $0x70, s13;
	s30 =	sand.u32 $0xFC00, s13  }
0x41: {  	s12 =	sor.u32 s12, s30  }
0x42: {  	v3 =	vld [tilespmem:s12+$0x2800]  }
0x43: {  	v4 =	vld [tilespmem:s12+$0x2780]  }
0x44: {  	v5 =	vld [tilespmem:s12+$0x2880]  }
0x45: {  	v6 =	vld [tilespmem:s12+$0x2900]  }
0x46: {  	v7 =	vld [tilespmem:s12+$0x2980]  }
0x47: {  	v8 =	vld [tilespmem:s12+$0x2A00]  }
0x48: {  	v54 =	vld [tilespmem:s12+$0x2A80];
	v3 =	vadd.s32 v4, v3  }
0x49: {  	v55 =	vld [tilespmem:s12+$0x2B00];
	v3 =	vadd.s32 v5, v3  }
0x4a: {  	v56 =	vld [tilespmem:s12+$0xC780];
	v3 =	vadd.s32 v6, v3  }
0x4b: {  	v57 =	vld [tilespmem:s12+$0xC800];
	v3 =	vadd.s32 v7, v3  }
0x4c: {  	v58 =	vld [tilespmem:s12+$0xC880];
	v3 =	vadd.s32 v8, v3  }
0x4d: {  	v59 =	vld [tilespmem:s12+$0xC900];
	v3 =	vadd.s32 v54, v3  }
0x4e: {  	v60 =	vld [tilespmem:s12+$0xC980];
	v3 =	vadd.s32 v55, v3  }
0x4f: {  	v61 =	vld [tilespmem:s12+$0xCA00];
	v3 =	vadd.s32 v56, v3  }
0x50: {  	v62 =	vld [tilespmem:s12+$0xCA80];
	v3 =	vadd.s32 v57, v3  }
0x51: {  	v63 =	vld [tilespmem:s12+$0xCB00];
	v3 =	vadd.s32 v58, v3  }
0x52: {  	v3 =	vadd.s32 v59, v3  }
0x53: {  	v3 =	vadd.s32 v60, v3  }
0x54: {  	v3 =	vadd.s32 v61, v3  }
0x55: {  	s31 =	simm.s32 $0x10;
	s14 =	simm.s32 $0x80;
	v3 =	vadd.s32 v62, v3  }
0x56: {  	s13 =	sand.u32 $0x70, s31;
	s15 =	sand.u32 $0xFC00, s14;
	s12 =	simm.s32 $0x16780;
	v3 =	vadd.s32 v63, v3  }
0x57: {  	s13 =	sor.u32 s13, s15;
	s15 =	simm.s32 $0x20;
	[tilespmem:s12+$0x0] =	vst v3  }
.LBB2_6:
0x58: {  	p0 =	sne.s32 s15, $0x13F0;
	v3 =	vld [tilespmem:s13+$0x2800]  }
0x59: {  	v4 =	vld [tilespmem:s13+$0x2780]  }
0x5a: {  	v5 =	vld [tilespmem:s13+$0x2880]  }
0x5b: {  	v6 =	vld [tilespmem:s13+$0x2900]  }
0x5c: {  	v7 =	vld [tilespmem:s13+$0x2980]  }
0x5d: {  	v8 =	vld [tilespmem:s13+$0x2A00]  }
0x5e: {  	v3 =	vadd.s32 v4, v3;
	v4 =	vld [tilespmem:s13+$0x2A80]  }
0x5f: {  	v3 =	vadd.s32 v5, v3;
	v5 =	vld [tilespmem:s13+$0x2B00]  }
0x60: {  	v3 =	vadd.s32 v6, v3;
	v6 =	vld [tilespmem:s13+$0xC780]  }
0x61: {  	v3 =	vadd.s32 v7, v3;
	v7 =	vld [tilespmem:s13+$0xC800]  }
0x62: {  	v3 =	vadd.s32 v8, v3;
	v8 =	vld [tilespmem:s13+$0xC880]  }
0x63: {  	v3 =	vadd.s32 v4, v3;
	v4 =	vld [tilespmem:s13+$0xC900]  }
0x64: {  	v3 =	vadd.s32 v5, v3;
	v5 =	vld [tilespmem:s13+$0xC980]  }
0x65: {  	v3 =	vadd.s32 v6, v3;
	v6 =	vld [tilespmem:s13+$0xCA00]  }
0x66: {  	v3 =	vadd.s32 v7, v3;
	v7 =	vld [tilespmem:s13+$0xCA80]  }
0x67: {  	v3 =	vadd.s32 v8, v3;
	v8 =	vld [tilespmem:s13+$0xCB00]  }
0x68: {  	v3 =	vadd.s32 v4, v3  }
.Ltmp2:
0x69: {  	v3 =	vadd.s32 v5, v3;
	(pc) =	sbr.rel @p0 .LBB2_6-.Ltmp2, $4  }
0x6a: {  	v3 =	vadd.s32 v6, v3  }
0x6b: {  	s14 =	sadd.s32 $0x80, s14;
	v3 =	vadd.s32 v7, v3  }
0x6c: {  	s12 =	sadd.s32 $0x10, s12;
	s16 =	sand.u32 $0xFC00, s14;
	s13 =	sand.u32 $0x70, s15;
	v3 =	vadd.s32 v8, v3  }
0x6d: {  	s15 =	sadd.s32 $0x10, s15;
	s13 =	sor.u32 s13, s16;
	[tilespmem:s12+$0x0] =	vst v3  }
0x6e: {  	v3 =	vld [tilespmem:s13+$0x2800]  }
0x6f: {  	v4 =	vld [tilespmem:s13+$0x2780]  }
0x70: {  	v5 =	vld [tilespmem:s13+$0x2880]  }
0x71: {  	v6 =	vld [tilespmem:s13+$0x2900]  }
0x72: {  	v7 =	vld [tilespmem:s13+$0x2980]  }
0x73: {  	v8 =	vld [tilespmem:s13+$0x2A00]  }
0x74: {  	v54 =	vld [tilespmem:s13+$0x2A80];
	v3 =	vadd.s32 v4, v3  }
0x75: {  	v55 =	vld [tilespmem:s13+$0x2B00];
	v3 =	vadd.s32 v5, v3  }
0x76: {  	v56 =	vld [tilespmem:s13+$0xC780];
	v3 =	vadd.s32 v6, v3  }
0x77: {  	v57 =	vld [tilespmem:s13+$0xC800];
	v3 =	vadd.s32 v7, v3  }
0x78: {  	v58 =	vld [tilespmem:s13+$0xC880];
	v3 =	vadd.s32 v8, v3  }
0x79: {  	v59 =	vld [tilespmem:s13+$0xC900];
	v3 =	vadd.s32 v54, v3  }
0x7a: {  	v60 =	vld [tilespmem:s13+$0xC980];
	v3 =	vadd.s32 v55, v3  }
0x7b: {  	v61 =	vld [tilespmem:s13+$0xCA00];
	v3 =	vadd.s32 v56, v3  }
0x7c: {  	v62 =	vld [tilespmem:s13+$0xCA80];
	v3 =	vadd.s32 v57, v3  }
0x7d: {  	v63 =	vld [tilespmem:s13+$0xCB00];
	v3 =	vadd.s32 v58, v3  }
0x7e: {  	v3 =	vadd.s32 v59, v3  }
0x7f: {  	v3 =	vadd.s32 v60, v3  }
0x80: {  	v3 =	vadd.s32 v61, v3  }
0x81: {  	s13 =	simm.s32 $0x0;
	s12 =	sadd.s32 $0x10, s12;
	v3 =	vadd.s32 v62, v3  }
0x82: {  	p0 =	por $0x1, $0x1;
	s14 =	sand.u32 $0x70, s13;
	s15 =	sand.u32 $0xFC00, s13;
	v3 =	vadd.s32 v63, v3  }
.Ltmp3:
0x83: {  	[tilespmem:s12+$0x0] =	vst v3;
	s12 =	sor.u32 s14, s15;
	(pc) =	sbr.rel @!p0 .LBB2_9-.Ltmp3, $4  }
0x84: {  	[tilespmem:s12+$0x2800] =	vst v0  }
0x85: {  	[tilespmem:s12+$0x2880] =	vst v0  }
0x86: {  	s16 =	simm.s32 $0x0;
	[tilespmem:s12+$0x2900] =	vst v0  }
0x87: {  	s17 =	sand.u32 $0x7, s13;
	s15 =	simm.s32 $0x10;
	s14 =	simm.s32 $0x0;
	[tilespmem:s12+$0x2980] =	vst v0  }
.LBB2_8:
0x88: {  	p0 =	sne.s32 s15, $0x13F0;
	s17 =	sshll.u32 s17, $0x4;
	[tilespmem:s12+$0x2A00] =	vst v0  }
0x89: {  	s17 =	sadd.s32 s17, s14;
	[tilespmem:s12+$0x2A80] =	vst v0  }
0x8a: {  	[tilespmem:s12+$0x2780] =	vst v0;
	s17 =	sor.u32 $0x380, s17  }
0x8b: {  	[tilespmem:s17+$0x2780] =	vst v0  }
0x8c: {  	[tilespmem:s12+$0xC780] =	vst v0  }
0x8d: {  	[tilespmem:s12+$0xC800] =	vst v0  }
0x8e: {  	[tilespmem:s12+$0xC880] =	vst v0  }
0x8f: {  	[tilespmem:s12+$0xC900] =	vst v0  }
0x90: {  	[tilespmem:s12+$0xC980] =	vst v0  }
0x91: {  	s14 =	sadd.s32 $0x80, s14;
	[tilespmem:s12+$0xCA00] =	vst v0  }
0x92: {  	s18 =	sand.u32 $0xFC00, s14;
	s17 =	sand.u32 $0x70, s15;
	[tilespmem:s12+$0xCA80] =	vst v0  }
.Ltmp4:
0x93: {  	[tilespmem:s12+$0xCB00] =	vst v0;
	s12 =	sor.u32 s17, s18;
	(pc) =	sbr.rel @p0 .LBB2_8-.Ltmp4, $4  }
0x94: {  	[tilespmem:s12+$0x2800] =	vst v0  }
0x95: {  	[tilespmem:s12+$0x2880] =	vst v0  }
0x96: {  	s16 =	sadd.s32 $0x1, s16;
	[tilespmem:s12+$0x2900] =	vst v0  }
0x97: {  	s15 =	sadd.s32 $0x10, s15;
	s17 =	sand.u32 $0x7, s16;
	[tilespmem:s12+$0x2980] =	vst v0  }
.LBB2_9:
0x98: {  	s15 =	sshll.u32 s17, $0x4;
	[tilespmem:s12+$0x2A00] =	vst v0  }
0x99: {  	[tilespmem:s12+$0x2A80] =	vst v0;
	s14 =	sadd.s32 s15, s14  }
0x9a: {  	[tilespmem:s12+$0x2780] =	vst v0;
	s14 =	sor.u32 $0x380, s14  }
0x9b: {  	[tilespmem:s14+$0x2780] =	vst v0  }
0x9c: {  	[tilespmem:s12+$0xC780] =	vst v0  }
0x9d: {  	[tilespmem:s12+$0xC800] =	vst v0  }
0x9e: {  	[tilespmem:s12+$0xC880] =	vst v0  }
0x9f: {  	[tilespmem:s12+$0xC900] =	vst v0  }
0xa0: {  	[tilespmem:s12+$0xC980] =	vst v0  }
0xa1: {  	[tilespmem:s12+$0xCA00] =	vst v0  }
0xa2: {  	[tilespmem:s12+$0xCA80] =	vst v0  }
0xa3: {  	[tilespmem:s12+$0xCB00] =	vst v0  }
.LBB2_10:
0xa4: {  	s12 =	sshra.s32 s13, $0x2  }
0xa5: {  	v3 =	vld [tilespmem:s12+$0x0];
	_ =	sdelay $0x4  }
0xa6: {  	v3 =	vadd.s32 $0xFFFFEC00, v3  }
0xa7: {  	vm0 =	vlt.u32 v3, $0x1400  }
0xa8: {  	v3 =	vnsel vm0, $0x0, v3  }
0xa9: {  	v4 =	vshll.u32 v3, $0x3  }
0xaa: {  	v3 =	vand.u32 $0x7F, v3;
	v4 =	vand.u32 $0xFFFFFC00, v4  }
0xab: {  	v3 =	vor.u32 v3, v4  }
0xac: {  	p0 =	sne.s32 s13, $0x9C00;
	v3 =	vadd.s32 v1, v3  }
.Ltmp5:
0xad: {  	_ = 	snop;
	(pc) =	sbr.rel @p0 .LBB2_10-.Ltmp5, $2  }
0xae: {  	_ =	sdelay $0x2  }
0xaf: {  	s13 =	sadd.s32 $0x40, s13;
	[tilespmem:v3+s7+$0x0] =	vst.idx.add.s32.msk vm0, v2  }
0xb0: {  	s12 =	simm.s32 $0x0  }
0xb1: {  	s13 =	sand.u32 $0x70, s12;
	s14 =	sand.u32 $0xFC00, s12  }
0xb2: {  	s13 =	sor.u32 s13, s14  }
0xb3: {  	v3 =	vld [tilespmem:s13+$0x2800]  }
0xb4: {  	v4 =	vld [tilespmem:s13+$0x2780]  }
0xb5: {  	v5 =	vld [tilespmem:s13+$0x2880]  }
0xb6: {  	s30 =	sand.u32 $0x7, s12;
	v6 =	vld [tilespmem:s13+$0x2900]  }
0xb7: {  	s14 =	sshll.u32 s30, $0x4;
	v7 =	vld [tilespmem:s13+$0x2980]  }
0xb8: {  	s14 =	sadd.s32 $0x0, s14;
	v8 =	vld [tilespmem:s13+$0x2A00]  }
0xb9: {  	v54 =	vld [tilespmem:s13+$0x2A80];
	s14 =	sor.u32 $0x380, s14;
	v3 =	vadd.s32 v4, v3  }
0xba: {  	v55 =	vld [tilespmem:s14+$0x2780];
	v3 =	vadd.s32 v5, v3  }
0xbb: {  	v56 =	vld [tilespmem:s13+$0xC780];
	v3 =	vadd.s32 v6, v3  }
0xbc: {  	v57 =	vld [tilespmem:s13+$0xC800];
	v3 =	vadd.s32 v7, v3  }
0xbd: {  	v58 =	vld [tilespmem:s13+$0xC880];
	v3 =	vadd.s32 v8, v3  }
0xbe: {  	v59 =	vld [tilespmem:s13+$0xC900];
	v3 =	vadd.s32 v54, v3  }
0xbf: {  	v60 =	vld [tilespmem:s13+$0xC980];
	v3 =	vadd.s32 v55, v3  }
0xc0: {  	v61 =	vld [tilespmem:s13+$0xCA00];
	v3 =	vadd.s32 v56, v3  }
0xc1: {  	v62 =	vld [tilespmem:s13+$0xCA80];
	v3 =	vadd.s32 v57, v3  }
0xc2: {  	v63 =	vld [tilespmem:s13+$0xCB00];
	v3 =	vadd.s32 v58, v3  }
0xc3: {  	v3 =	vadd.s32 v59, v3  }
0xc4: {  	v3 =	vadd.s32 v60, v3  }
0xc5: {  	v3 =	vadd.s32 v61, v3  }
0xc6: {  	s15 =	simm.s32 $0x80;
	s13 =	simm.s32 $0x10;
	v3 =	vadd.s32 v62, v3  }
0xc7: {  	s16 =	sand.u32 $0xFC00, s15;
	s17 =	sand.u32 $0x1FF0, s12;
	s31 =	sand.u32 $0x70, s13;
	v3 =	vadd.s32 v63, v3  }
0xc8: {  	s14 =	sor.u32 s31, s16;
	s16 =	simm.s32 $0x20;
	[tilespmem:s17+$0x17B80] =	vst v3  }
.LBB2_12:
0xc9: {  	p0 =	sne.s32 s16, $0x13F0;
	v3 =	vld [tilespmem:s14+$0x2800]  }
0xca: {  	v4 =	vld [tilespmem:s14+$0x2780]  }
0xcb: {  	s12 =	sadd.s32 $0x1, s12;
	v5 =	vld [tilespmem:s14+$0x2880]  }
0xcc: {  	s17 =	sand.u32 $0x7, s12;
	v6 =	vld [tilespmem:s14+$0x2900]  }
0xcd: {  	s17 =	sshll.u32 s17, $0x4;
	v7 =	vld [tilespmem:s14+$0x2980]  }
0xce: {  	s17 =	sadd.s32 s17, s15;
	v8 =	vld [tilespmem:s14+$0x2A00]  }
0xcf: {  	s17 =	sor.u32 $0x380, s17;
	v3 =	vadd.s32 v4, v3;
	v4 =	vld [tilespmem:s14+$0x2A80]  }
0xd0: {  	v3 =	vadd.s32 v5, v3;
	v5 =	vld [tilespmem:s17+$0x2780]  }
0xd1: {  	v3 =	vadd.s32 v6, v3;
	v6 =	vld [tilespmem:s14+$0xC780]  }
0xd2: {  	v3 =	vadd.s32 v7, v3;
	v7 =	vld [tilespmem:s14+$0xC800]  }
0xd3: {  	v3 =	vadd.s32 v8, v3;
	v8 =	vld [tilespmem:s14+$0xC880]  }
0xd4: {  	v3 =	vadd.s32 v4, v3;
	v4 =	vld [tilespmem:s14+$0xC900]  }
0xd5: {  	v3 =	vadd.s32 v5, v3;
	v5 =	vld [tilespmem:s14+$0xC980]  }
0xd6: {  	v3 =	vadd.s32 v6, v3;
	v6 =	vld [tilespmem:s14+$0xCA00]  }
0xd7: {  	v3 =	vadd.s32 v7, v3;
	v7 =	vld [tilespmem:s14+$0xCA80]  }
0xd8: {  	v3 =	vadd.s32 v8, v3;
	v8 =	vld [tilespmem:s14+$0xCB00]  }
0xd9: {  	v3 =	vadd.s32 v4, v3  }
.Ltmp6:
0xda: {  	v3 =	vadd.s32 v5, v3;
	(pc) =	sbr.rel @p0 .LBB2_12-.Ltmp6, $4  }
0xdb: {  	v3 =	vadd.s32 v6, v3  }
0xdc: {  	s15 =	sadd.s32 $0x80, s15;
	v3 =	vadd.s32 v7, v3  }
0xdd: {  	s13 =	sand.u32 $0x1FF0, s13;
	s17 =	sand.u32 $0xFC00, s15;
	s14 =	sand.u32 $0x70, s16;
	v3 =	vadd.s32 v8, v3  }
0xde: {  	s14 =	sor.u32 s14, s17;
	[tilespmem:s13+$0x17B80] =	vst v3;
	s13 =	smov.u32 s16;
	s16 =	sadd.s32 $0x10, s16  }
0xdf: {  	v3 =	vld [tilespmem:s14+$0x2800]  }
0xe0: {  	v4 =	vld [tilespmem:s14+$0x2780]  }
0xe1: {  	v5 =	vld [tilespmem:s14+$0x2880];
	s12 =	sadd.s32 $0x1, s12  }
0xe2: {  	v6 =	vld [tilespmem:s14+$0x2900];
	s12 =	sand.u32 $0x7, s12  }
0xe3: {  	v7 =	vld [tilespmem:s14+$0x2980];
	s12 =	sshll.u32 s12, $0x4  }
0xe4: {  	v8 =	vld [tilespmem:s14+$0x2A00];
	s12 =	sadd.s32 s12, s15  }
0xe5: {  	v54 =	vld [tilespmem:s14+$0x2A80];
	s12 =	sor.u32 $0x380, s12;
	v3 =	vadd.s32 v4, v3  }
0xe6: {  	v55 =	vld [tilespmem:s12+$0x2780];
	v3 =	vadd.s32 v5, v3  }
0xe7: {  	v56 =	vld [tilespmem:s14+$0xC780];
	v3 =	vadd.s32 v6, v3  }
0xe8: {  	v57 =	vld [tilespmem:s14+$0xC800];
	v3 =	vadd.s32 v7, v3  }
0xe9: {  	v58 =	vld [tilespmem:s14+$0xC880];
	v3 =	vadd.s32 v8, v3  }
0xea: {  	v59 =	vld [tilespmem:s14+$0xC900];
	v3 =	vadd.s32 v54, v3  }
0xeb: {  	v60 =	vld [tilespmem:s14+$0xC980];
	v3 =	vadd.s32 v55, v3  }
0xec: {  	v61 =	vld [tilespmem:s14+$0xCA00];
	v3 =	vadd.s32 v56, v3  }
0xed: {  	v62 =	vld [tilespmem:s14+$0xCA80];
	v3 =	vadd.s32 v57, v3  }
0xee: {  	v63 =	vld [tilespmem:s14+$0xCB00];
	v3 =	vadd.s32 v58, v3  }
0xef: {  	v3 =	vadd.s32 v59, v3  }
0xf0: {  	v3 =	vadd.s32 v60, v3  }
0xf1: {  	v3 =	vadd.s32 v61, v3  }
0xf2: {  	s11 =	sadd.s32 $0x1, s11;
	v3 =	vadd.s32 v62, v3  }
0xf3: {  	s31 =	sand.u32 $0x1FF0, s13;
	p0 =	sne.s32 s11, s5;
	v3 =	vadd.s32 v63, v3  }
.Ltmp7:
0xf4: {  	[tilespmem:s31+$0x17B80] =	vst v3;
	(pc) =	sbr.rel @p0 .LBB2_1-.Ltmp7, $4  }
0xf5: {  	[hbm4b:s4+s8] =	stream.strided.scatter [tilespmem:s10], [sflag:$0x1], $0x2800, s9, s8, $0x38;
	[tilespmem:$0x18F80] =	vst v63  }
0xf6: {  	_ =	swait.ge [sflag:s6], $0x2800  }
0xf7: {  	[sflag:s6] =	ssyncset.done $0x0  }
0xf8: {  	[sflag:s6] =	ssyncadd.s32 $0xFFFFD800  }
0xf9: {  	_ =	sfence.sel $0x180000  }
0xfa: {  	[bflag:$0x0] =	sbarrier.arrive $0xFFFF  }
0xfb: {  	p0 =	sne.s32 s0, $0x0;
	_ =	strace $0x90000047  }
0xfc: {  	s0 =	sadd.s32 @!p0 $0x100000, s1;
	[bflag:$0x2] =	sbarrier.arrive $0xFFFF  }
0xfd: {  	[sflag:s0] =	ssyncadd.tile.s32 @!p0 $0x1;
	_ =	shalt  }
.Lfunc_end2:
_tile_overlayer_lowered:
.L_overlay_start_2:
0xfe: {  	(tag) =	ssettag $0x2  }
0xff: {  	s0 =	rddreg [dreg:$0x0];
	s2 =	stileid.u32  }
0x100: {  	s1 =	rddreg [dreg:$0x1];
	p0 =	sne.s32 s2, $0x0  }
0x101: {  	s3 =	rddreg [dreg:$0x2];
	[bflag:$0x3] =	sbarrier.arrive $0xFFFF;
	s2 =	simm.s32 @!p0 $0x1C02  }
0x102: {  	[timem:s3], [sflag:s2] =	dma.local @!p0 [hbm:s0], s1  }
0x103: {  	s0 =	simm.s32 @!p0 $0x2  }
0x104: {  	_ =	swait.ge @!p0 [sflag:s0], s1  }
0x105: {  	s1 =	ssub.s32 @!p0 $0x0, s1;
	[sflag:s0] =	ssyncset.done @!p0 $0x0  }
0x106: {  	[sflag:s0] =	ssyncadd.s32 @!p0 s1  }
0x107: {  	[bflag:$0x3] =	sbarrier.arrive $0xFFFF  }
0x108: {  	_ =	shalt  }

</sc_bundles>
